<compile_context>
chip_gen: v7x
topology: tpu7x:2x2x1
jax: 0.10.2.dev20260603
libtpu: 0.0.44.dev20260713+nightly
codegen_flags: <defaults>
</compile_context>

<pallas_src>
import functools

import jax
import jax.numpy as jnp
from jax import lax
from jax.experimental import pallas as pl
from jax.experimental.pallas import tpu as pltpu
from jax.experimental.pallas import tpu_sc as plsc

N = 1_000_000
P = 1_015_808
NV = P // 1024
R = P // 128
R2 = R // 128


def _cdf_kernel(w_ref, ll_ref, cdf_ref, lg_ref, xt_ref, outt_ref,
                tt_ref, innt_ref):
    lg = jnp.log(w_ref[...]) + ll_ref[...]
    lg_ref[...] = lg
    amax = jnp.max(lg)

    def body0(v, acc):
        return acc + jnp.exp(lg_ref[pl.ds(8 * v, 8), :] - amax)

    acc = jax.lax.fori_loop(0, NV, body0, jnp.zeros((8, 128), jnp.float32))
    b0 = acc[0:4] + acc[4:8]
    c0 = b0[0:2] + b0[2:4]
    d0 = c0[0:1] + c0[1:2]
    L = jnp.log(jnp.sum(d0)) + amax

    p = jnp.exp(lg_ref[...] - L)
    xt_ref[...] = jnp.transpose(p)

    def body1(j, acc):
        acc = acc + xt_ref[pl.ds(j, 1), :]
        outt_ref[pl.ds(j, 1), :] = acc
        return acc

    tot = jax.lax.fori_loop(0, 128, body1, jnp.zeros((1, R), jnp.float32))

    tt_ref[...] = jnp.transpose(tot.reshape(R2, 128))

    def body2(j, acc):
        acc = acc + tt_ref[pl.ds(j, 1), :]
        innt_ref[pl.ds(j, 1), :] = acc
        return acc

    t2acc = jax.lax.fori_loop(0, 128, body2, jnp.zeros((1, R2), jnp.float32))

    iota2 = jax.lax.broadcasted_iota(jnp.int32, (1, R2), 1)

    def body3(a, carry):
        acc, c2 = carry
        m = iota2 == a
        c2 = jnp.where(m, acc, c2)
        ta = jnp.sum(jnp.where(m, t2acc, jnp.float32(0.0)))
        return acc + ta, c2

    _, c2 = jax.lax.fori_loop(
        0, R2, body3,
        (jnp.zeros((1, 1), jnp.float32), jnp.zeros((1, R2), jnp.float32)))

    totscan_t = innt_ref[...] + c2
    totscan = jnp.transpose(totscan_t).reshape(1, R)
    carry = jnp.concatenate(
        [jnp.zeros((1, 1), jnp.float32), totscan[:, :-1]], axis=1)
    cdf_t = outt_ref[...] + carry
    cdf_ref[...] = jnp.transpose(cdf_t)


def _compute_cdf(weights, log_lik):
    wp = jnp.concatenate([weights, jnp.zeros((P - N,), jnp.float32)])
    llp = jnp.concatenate([log_lik, jnp.zeros((P - N,), jnp.float32)])
    cdf = pl.pallas_call(
        _cdf_kernel,
        in_specs=[pl.BlockSpec(memory_space=pltpu.VMEM),
                  pl.BlockSpec(memory_space=pltpu.VMEM)],
        out_specs=pl.BlockSpec(memory_space=pltpu.VMEM),
        out_shape=jax.ShapeDtypeStruct((R, 128), jnp.float32),
        scratch_shapes=[pltpu.VMEM((R, 128), jnp.float32),
                        pltpu.VMEM((128, R), jnp.float32),
                        pltpu.VMEM((128, R), jnp.float32),
                        pltpu.VMEM((128, R2), jnp.float32),
                        pltpu.VMEM((128, R2), jnp.float32)],
    )(wp.reshape(R, 128), llp.reshape(R, 128))
    return cdf.reshape(P)[:N]


NS = 62_500
NW = 32
QW = P // NW
NCH = 31
CQ = QW // NCH
NSUB = 8
SUBQ = CQ // NSUB
NQV = CQ // 16

_SEARCH_POWERS = (32768, 16384, 8192, 4096, 2048, 1024, 512, 256,
                  128, 64, 32, 16, 8, 4, 2, 1)


def _make_sc_kernel():
    mesh = plsc.VectorSubcoreMesh(core_axis_name="c", subcore_axis_name="s")

    @functools.partial(
        pl.kernel, mesh=mesh,
        compiler_params=pltpu.CompilerParams(needs_layout_passes=False,
                                             use_tc_tiling_on_sc=False),
        out_type=[jax.ShapeDtypeStruct((P,), jnp.float32),
                  jax.ShapeDtypeStruct((P,), jnp.float32),
                  jax.ShapeDtypeStruct((P,), jnp.float32)],
        scratch_types=[pltpu.VMEM((NS,), jnp.float32),
                       pltpu.VMEM((CQ,), jnp.float32),
                       pltpu.VMEM((CQ,), jnp.int32),
                       pltpu.VMEM((CQ, 16), jnp.float32),
                       pltpu.VMEM((CQ,), jnp.int32),
                       pltpu.VMEM((CQ,), jnp.float32),
                       pltpu.VMEM((CQ,), jnp.float32),
                       pltpu.VMEM((CQ,), jnp.float32),
                       pltpu.SemaphoreType.DMA],
    )
    def sc_kernel(cdf2d_hbm, samp_hbm, u_hbm, px_hbm, py_hbm, pz_hbm,
                  ox_hbm, oy_hbm, oz_hbm,
                  samp_v, u_v, ridx_v, rows_v, idx_v, gx_v, gy_v, gz_v, sem):
        wid = lax.axis_index("s") * 2 + lax.axis_index("c")
        pltpu.sync_copy(samp_hbm, samp_v)
        iota16 = lax.iota(jnp.int32, 16)

        def chunk_body(ch, _):
            base = wid * QW + ch * CQ
            pltpu.sync_copy(u_hbm.at[pl.ds(base, CQ)], u_v)

            def search_body(qv, _):
                uq = u_v[pl.ds(qv * 16, 16)]
                cnt = jnp.zeros((16,), jnp.int32)
                for p in _SEARCH_POWERS:
                    cand = cnt + p
                    ok = cand <= NS
                    probe = jnp.minimum(cand, NS) - 1
                    tv = plsc.load_gather(samp_v, [probe])
                    take = ok & (tv < uq)
                    cnt = jnp.where(take, cand, cnt)
                ridx_v[pl.ds(qv * 16, 16)] = jnp.maximum(cnt - 1, 0)
                return 0

            lax.fori_loop(0, NQV, search_body, 0)

            wcopies = [
                pltpu.async_copy(
                    cdf2d_hbm.at[ridx_v.at[pl.ds(j * SUBQ, SUBQ)]],
                    rows_v.at[pl.ds(j * SUBQ, SUBQ)], sem)
                for j in range(NSUB)]
            for c in wcopies:
                c.wait()

            def count_body(qv, _):
                uq = u_v[pl.ds(qv * 16, 16)]
                r = ridx_v[pl.ds(qv * 16, 16)]
                rows = iota16 + qv * 16
                cnt = jnp.zeros((16,), jnp.int32)
                for j in range(16):
                    vj = plsc.load_gather(rows_v, [rows, jnp.full((16,), j, jnp.int32)])
                    cnt = cnt + jnp.where(vj < uq, 1, 0)
                idx = jnp.minimum(r * 16 + cnt, N - 1)
                idx_v[pl.ds(qv * 16, 16)] = idx
                return 0

            lax.fori_loop(0, NQV, count_body, 0)

            gcopies = []
            for j in range(NSUB):
                sl = pl.ds(j * SUBQ, SUBQ)
                gcopies.append(pltpu.async_copy(px_hbm.at[idx_v.at[sl]],
                                                gx_v.at[sl], sem))
                gcopies.append(pltpu.async_copy(py_hbm.at[idx_v.at[sl]],
                                                gy_v.at[sl], sem))
                gcopies.append(pltpu.async_copy(pz_hbm.at[idx_v.at[sl]],
                                                gz_v.at[sl], sem))
            for c in gcopies:
                c.wait()

            pltpu.sync_copy(gx_v, ox_hbm.at[pl.ds(base, CQ)])
            pltpu.sync_copy(gy_v, oy_hbm.at[pl.ds(base, CQ)])
            pltpu.sync_copy(gz_v, oz_hbm.at[pl.ds(base, CQ)])
            return 0

        lax.fori_loop(0, NCH, chunk_body, 0)

    return sc_kernel


_sc_kernel = _make_sc_kernel()


def kernel(pos, weights, log_lik, u):
    cdf = _compute_cdf(weights, log_lik)
    cdf2d = cdf.reshape(NS, 16)
    samp = cdf2d[:, 0]
    u_p = jnp.concatenate([u, jnp.zeros((P - N,), jnp.float32)])
    ox, oy, oz = _sc_kernel(cdf2d, samp, u_p,
                            pos[:, 0], pos[:, 1], pos[:, 2])
    return jnp.stack([ox[:N], oy[:N], oz[:N]], axis=1)

# --- scband reference (transcript-rebuilt; emitter-appended) ---
"""Pipeline reference for scband-state-39908836115100 (READ-ONLY COPY).

The authoritative reference and input builder live on the scoring server;
editing this copy changes nothing except your own understanding.
"""

import jax, jax.numpy as jnp
import numpy as np

N_PARTICLES = 1000000


def setup_inputs(seed: int = 0) -> dict:
    key = jax.random.key(seed)
    k1, k2, k3, k4 = jax.random.split(key, 4)
    # particle poses (x, y, theta) like the SE(2) particle filter prior
    pos = jax.random.normal(k1, (N_PARTICLES, 3), dtype=jnp.float32) * 5.0
    # current (unnormalized) particle weights, strictly positive
    weights = jax.random.uniform(k2, (N_PARTICLES,), dtype=jnp.float32, minval=1e-6, maxval=1.0)
    # per-particle lidar log-likelihood (stand-in for log_likelyhood(map, p, obs))
    log_lik = jax.random.normal(k3, (N_PARTICLES,), dtype=jnp.float32)
    # uniform draws for inverse-CDF categorical resampling (one per resampled particle)
    u = jax.random.uniform(k4, (N_PARTICLES,), dtype=jnp.float32)
    return {"pos": pos, "weights": weights, "log_lik": log_lik, "u": u}


def reference(pos, weights, log_lik, u):
    # state.lidar step: new_weights = log(w) + log_likelihood(map, p, obs)
    logits = jnp.log(weights) + log_lik
    # normalize logits (CategoricalLogits normalization)
    logits = logits - jax.scipy.special.logsumexp(logits)
    probs = jnp.exp(logits)
    # categorical sampling of n_particles indices via inverse-CDF
    # (equivalent in distribution to dist.CategoricalLogits(new_weights).sample()
    #  vmapped over n_particles independent seeds)
    cdf = jnp.cumsum(probs)
    idx = jnp.searchsorted(jax.lax.stop_gradient(cdf), jax.lax.stop_gradient(u))
    idx = jnp.clip(idx, 0, pos.shape[0] - 1)
    # gather resampled particle poses: ans = pos[idx]
    resampled = jnp.take(pos, idx, axis=0)
    return resampled

if __name__ == "__main__":
    import jax
    _d = setup_inputs()
    print(jax.jit(kernel)(*tuple(_d.values())))

</pallas_src>

<mosaic_0001>
#map = affine_map<(d0, d1) -> (0, 0)>
#map1 = affine_map<(d0, d1) -> (0)>
module attributes {stable_mosaic.version = 14 : i64} {
  func.func @sc_kernel(%arg0: i32, %arg1: i32, %arg2: memref<62500x16xf32, #tpu.memory_space<hbm>>, %arg3: memref<62500xf32, #tpu.memory_space<hbm>>, %arg4: memref<1015808xf32, #tpu.memory_space<hbm>>, %arg5: memref<1000000xf32, #tpu.memory_space<hbm>>, %arg6: memref<1000000xf32, #tpu.memory_space<hbm>>, %arg7: memref<1000000xf32, #tpu.memory_space<hbm>>, %arg8: memref<1015808xf32, #tpu.memory_space<hbm>>, %arg9: memref<1015808xf32, #tpu.memory_space<hbm>>, %arg10: memref<1015808xf32, #tpu.memory_space<hbm>>, %arg11: memref<62500xf32, #tpu.memory_space<vmem>>, %arg12: memref<1024xf32, #tpu.memory_space<vmem>>, %arg13: memref<1024xi32, #tpu.memory_space<vmem>>, %arg14: memref<1024x16xf32, #tpu.memory_space<vmem>>, %arg15: memref<1024xi32, #tpu.memory_space<vmem>>, %arg16: memref<1024xf32, #tpu.memory_space<vmem>>, %arg17: memref<1024xf32, #tpu.memory_space<vmem>>, %arg18: memref<1024xf32, #tpu.memory_space<vmem>>, %arg19: memref<!tpu.dma_semaphore, #tpu.memory_space<semaphore_mem>>) attributes {dimension_semantics = [#tpu.dimension_semantics<core_parallel>, #tpu.dimension_semantics<subcore_parallel>], iteration_bounds = array<i64: 2, 16>, scalar_prefetch = 0 : i64, scratch_operands = 9 : i64, tpu.core_type = #tpu.core_type<sc_vector_subcore>, window_params = [{transform_indices = #map}, {transform_indices = #map1}, {transform_indices = #map1}, {transform_indices = #map1}, {transform_indices = #map1}, {transform_indices = #map1}, {transform_indices = #map1}, {transform_indices = #map1}, {transform_indices = #map1}]} {
    %mul3A = arith.constant 2 : i32
    %mul3A_0 = arith.muli %arg1, %mul3A : i32
    %add3A = arith.addi %mul3A_0, %arg0 : i32
    "tpu.region"() ({
      %run_scoped3A = tpu.sem_alloc : memref<!tpu.dma_semaphore, #tpu.memory_space<semaphore_mem>>
      tpu.enqueue_dma source(%arg3 : memref<62500xf32, #tpu.memory_space<hbm>>) target(%arg11 : memref<62500xf32, #tpu.memory_space<vmem>>) target_semaphore(%run_scoped3A : memref<!tpu.dma_semaphore, #tpu.memory_space<semaphore_mem>>)
      tpu.wait_dma2 semaphore(%run_scoped3A : memref<!tpu.dma_semaphore, #tpu.memory_space<semaphore_mem>>) src(%arg3 : memref<62500xf32, #tpu.memory_space<hbm>>) dst(%arg11 : memref<62500xf32, #tpu.memory_space<vmem>>)
      tpu.yield
    }) : () -> ()
    %iota3A = tpu.iota {dimensions = array<i32: 0>} : vector<16xi32>
    %scan3A = arith.constant 0 : i32
    %scan3A_1 = arith.constant 0 : i32
    %scan3A_2 = arith.constant 31 : i32
    %scan3A_3 = arith.addi %scan3A_1, %scan3A_2 : i32
    %scan3A_4 = arith.constant 1 : i32
    %scan3A_5 = scf.for %scan3A_7 = %scan3A_1 to %scan3A_3 step %scan3A_4 iter_args(%scan3A_8 = %scan3A) -> (i32)  : i32 {
      %mul3A_9 = arith.constant 31744 : i32
      %mul3A_10 = arith.muli %add3A, %mul3A_9 : i32
      %mul3A_11 = arith.constant 1024 : i32
      %mul3A_12 = arith.muli %scan3A_7, %mul3A_11 : i32
      %add3A_13 = arith.addi %mul3A_10, %mul3A_12 : i32
      "tpu.region"() ({
        %run_scoped3A = tpu.sem_alloc : memref<!tpu.dma_semaphore, #tpu.memory_space<semaphore_mem>>
        %dma_start3A_443 = tpu.memref_slice %arg4[%add3A_13] : memref<1015808xf32, #tpu.memory_space<hbm>> -> memref<1024xf32, #tpu.memory_space<hbm>>
        %dma_start3A_444 = tpu.memref_slice %arg4[%add3A_13] : memref<1015808xf32, #tpu.memory_space<hbm>> -> memref<1024xf32, #tpu.memory_space<hbm>>
        tpu.enqueue_dma source(%dma_start3A_444 : memref<1024xf32, #tpu.memory_space<hbm>>) target(%arg12 : memref<1024xf32, #tpu.memory_space<vmem>>) target_semaphore(%run_scoped3A : memref<!tpu.dma_semaphore, #tpu.memory_space<semaphore_mem>>)
        %dma_wait3A_445 = tpu.memref_slice %arg4[%add3A_13] : memref<1015808xf32, #tpu.memory_space<hbm>> -> memref<1024xf32, #tpu.memory_space<hbm>>
        %dma_wait3A_446 = tpu.memref_slice %arg4[%add3A_13] : memref<1015808xf32, #tpu.memory_space<hbm>> -> memref<1024xf32, #tpu.memory_space<hbm>>
        tpu.wait_dma2 semaphore(%run_scoped3A : memref<!tpu.dma_semaphore, #tpu.memory_space<semaphore_mem>>) src(%dma_wait3A_446 : memref<1024xf32, #tpu.memory_space<hbm>>) dst(%arg12 : memref<1024xf32, #tpu.memory_space<vmem>>)
        tpu.yield
      }) : () -> ()
      %scan3A_14 = arith.constant 0 : i32
      %scan3A_15 = arith.constant 0 : i32
      %scan3A_16 = arith.constant 64 : i32
      %scan3A_17 = arith.addi %scan3A_15, %scan3A_16 : i32
      %scan3A_18 = arith.constant 1 : i32
      %scan3A_19 = scf.for %scan3A_443 = %scan3A_15 to %scan3A_17 step %scan3A_18 iter_args(%scan3A_444 = %scan3A_14) -> (i32)  : i32 {
        %mul3A_445 = arith.constant 16 : i32
        %mul3A_446 = arith.muli %scan3A_443, %mul3A_445 : i32
        %get3A = arith.index_cast %mul3A_446 : i32 to index
        %get3A_447 = tpu.vector_load %arg12[%get3A] {strides = array<i32>} : memref<1024xf32, #tpu.memory_space<vmem>>, vector<16xf32>,
        %broadcast_in_dim3A = arith.constant 0 : i32
        %broadcast_in_dim3A_448 = vector.broadcast %broadcast_in_dim3A : i32 to vector<16xi32>
        %add3A_449 = arith.constant 32768 : i32
        %add3A_450 = vector.broadcast %add3A_449 : i32 to vector<16xi32>
        %add3A_451 = arith.addi %broadcast_in_dim3A_448, %add3A_450 : vector<16xi32>
        %le3A = arith.constant 62500 : i32
        %le3A_452 = vector.broadcast %le3A : i32 to vector<16xi32>
        %le3A_453 = arith.cmpi sle, %add3A_451, %le3A_452 : vector<16xi32>
        %min3A = arith.constant 62500 : i32
        %min3A_454 = vector.broadcast %min3A : i32 to vector<16xi32>
        %min3A_455 = arith.minsi %add3A_451, %min3A_454 : vector<16xi32>
        %sub3A = arith.constant 1 : i32
        %sub3A_456 = vector.broadcast %sub3A : i32 to vector<16xi32>
        %sub3A_457 = arith.subi %min3A_455, %sub3A_456 : vector<16xi32>
        %gather3A = tpu.vector_load_idx %arg11[%sub3A_457] : memref<62500xf32, #tpu.memory_space<vmem>>[vector<16xi32>], vector<16xf32>,
        %lt3A = arith.cmpf olt, %gather3A, %get3A_447 : vector<16xf32>
        %and3A = arith.andi %le3A_453, %lt3A : vector<16xi1>
        %select_n3A = arith.select %and3A, %add3A_451, %broadcast_in_dim3A_448 : vector<16xi1>, vector<16xi32>
        %add3A_458 = arith.constant 16384 : i32
        %add3A_459 = vector.broadcast %add3A_458 : i32 to vector<16xi32>
        %add3A_460 = arith.addi %select_n3A, %add3A_459 : vector<16xi32>
        %le3A_461 = arith.constant 62500 : i32
        %le3A_462 = vector.broadcast %le3A_461 : i32 to vector<16xi32>
        %le3A_463 = arith.cmpi sle, %add3A_460, %le3A_462 : vector<16xi32>
        %min3A_464 = arith.constant 62500 : i32
        %min3A_465 = vector.broadcast %min3A_464 : i32 to vector<16xi32>
        %min3A_466 = arith.minsi %add3A_460, %min3A_465 : vector<16xi32>
        %sub3A_467 = arith.constant 1 : i32
        %sub3A_468 = vector.broadcast %sub3A_467 : i32 to vector<16xi32>
        %sub3A_469 = arith.subi %min3A_466, %sub3A_468 : vector<16xi32>
        %gather3A_470 = tpu.vector_load_idx %arg11[%sub3A_469] : memref<62500xf32, #tpu.memory_space<vmem>>[vector<16xi32>], vector<16xf32>,
        %lt3A_471 = arith.cmpf olt, %gather3A_470, %get3A_447 : vector<16xf32>
        %and3A_472 = arith.andi %le3A_463, %lt3A_471 : vector<16xi1>
        %select_n3A_473 = arith.select %and3A_472, %add3A_460, %select_n3A : vector<16xi1>, vector<16xi32>
        %add3A_474 = arith.constant 8192 : i32
        %add3A_475 = vector.broadcast %add3A_474 : i32 to vector<16xi32>
        %add3A_476 = arith.addi %select_n3A_473, %add3A_475 : vector<16xi32>
        %le3A_477 = arith.constant 62500 : i32
        %le3A_478 = vector.broadcast %le3A_477 : i32 to vector<16xi32>
        %le3A_479 = arith.cmpi sle, %add3A_476, %le3A_478 : vector<16xi32>
        %min3A_480 = arith.constant 62500 : i32
        %min3A_481 = vector.broadcast %min3A_480 : i32 to vector<16xi32>
        %min3A_482 = arith.minsi %add3A_476, %min3A_481 : vector<16xi32>
        %sub3A_483 = arith.constant 1 : i32
        %sub3A_484 = vector.broadcast %sub3A_483 : i32 to vector<16xi32>
        %sub3A_485 = arith.subi %min3A_482, %sub3A_484 : vector<16xi32>
        %gather3A_486 = tpu.vector_load_idx %arg11[%sub3A_485] : memref<62500xf32, #tpu.memory_space<vmem>>[vector<16xi32>], vector<16xf32>,
        %lt3A_487 = arith.cmpf olt, %gather3A_486, %get3A_447 : vector<16xf32>
        %and3A_488 = arith.andi %le3A_479, %lt3A_487 : vector<16xi1>
        %select_n3A_489 = arith.select %and3A_488, %add3A_476, %select_n3A_473 : vector<16xi1>, vector<16xi32>
        %add3A_490 = arith.constant 4096 : i32
        %add3A_491 = vector.broadcast %add3A_490 : i32 to vector<16xi32>
        %add3A_492 = arith.addi %select_n3A_489, %add3A_491 : vector<16xi32>
        %le3A_493 = arith.constant 62500 : i32
        %le3A_494 = vector.broadcast %le3A_493 : i32 to vector<16xi32>
        %le3A_495 = arith.cmpi sle, %add3A_492, %le3A_494 : vector<16xi32>
        %min3A_496 = arith.constant 62500 : i32
        %min3A_497 = vector.broadcast %min3A_496 : i32 to vector<16xi32>
        %min3A_498 = arith.minsi %add3A_492, %min3A_497 : vector<16xi32>
        %sub3A_499 = arith.constant 1 : i32
        %sub3A_500 = vector.broadcast %sub3A_499 : i32 to vector<16xi32>
        %sub3A_501 = arith.subi %min3A_498, %sub3A_500 : vector<16xi32>
        %gather3A_502 = tpu.vector_load_idx %arg11[%sub3A_501] : memref<62500xf32, #tpu.memory_space<vmem>>[vector<16xi32>], vector<16xf32>,
        %lt3A_503 = arith.cmpf olt, %gather3A_502, %get3A_447 : vector<16xf32>
        %and3A_504 = arith.andi %le3A_495, %lt3A_503 : vector<16xi1>
        %select_n3A_505 = arith.select %and3A_504, %add3A_492, %select_n3A_489 : vector<16xi1>, vector<16xi32>
        %add3A_506 = arith.constant 2048 : i32
        %add3A_507 = vector.broadcast %add3A_506 : i32 to vector<16xi32>
        %add3A_508 = arith.addi %select_n3A_505, %add3A_507 : vector<16xi32>
        %le3A_509 = arith.constant 62500 : i32
        %le3A_510 = vector.broadcast %le3A_509 : i32 to vector<16xi32>
        %le3A_511 = arith.cmpi sle, %add3A_508, %le3A_510 : vector<16xi32>
        %min3A_512 = arith.constant 62500 : i32
        %min3A_513 = vector.broadcast %min3A_512 : i32 to vector<16xi32>
        %min3A_514 = arith.minsi %add3A_508, %min3A_513 : vector<16xi32>
        %sub3A_515 = arith.constant 1 : i32
        %sub3A_516 = vector.broadcast %sub3A_515 : i32 to vector<16xi32>
        %sub3A_517 = arith.subi %min3A_514, %sub3A_516 : vector<16xi32>
        %gather3A_518 = tpu.vector_load_idx %arg11[%sub3A_517] : memref<62500xf32, #tpu.memory_space<vmem>>[vector<16xi32>], vector<16xf32>,
        %lt3A_519 = arith.cmpf olt, %gather3A_518, %get3A_447 : vector<16xf32>
        %and3A_520 = arith.andi %le3A_511, %lt3A_519 : vector<16xi1>
        %select_n3A_521 = arith.select %and3A_520, %add3A_508, %select_n3A_505 : vector<16xi1>, vector<16xi32>
        %add3A_522 = arith.constant 1024 : i32
        %add3A_523 = vector.broadcast %add3A_522 : i32 to vector<16xi32>
        %add3A_524 = arith.addi %select_n3A_521, %add3A_523 : vector<16xi32>
        %le3A_525 = arith.constant 62500 : i32
        %le3A_526 = vector.broadcast %le3A_525 : i32 to vector<16xi32>
        %le3A_527 = arith.cmpi sle, %add3A_524, %le3A_526 : vector<16xi32>
        %min3A_528 = arith.constant 62500 : i32
        %min3A_529 = vector.broadcast %min3A_528 : i32 to vector<16xi32>
        %min3A_530 = arith.minsi %add3A_524, %min3A_529 : vector<16xi32>
        %sub3A_531 = arith.constant 1 : i32
        %sub3A_532 = vector.broadcast %sub3A_531 : i32 to vector<16xi32>
        %sub3A_533 = arith.subi %min3A_530, %sub3A_532 : vector<16xi32>
        %gather3A_534 = tpu.vector_load_idx %arg11[%sub3A_533] : memref<62500xf32, #tpu.memory_space<vmem>>[vector<16xi32>], vector<16xf32>,
        %lt3A_535 = arith.cmpf olt, %gather3A_534, %get3A_447 : vector<16xf32>
        %and3A_536 = arith.andi %le3A_527, %lt3A_535 : vector<16xi1>
        %select_n3A_537 = arith.select %and3A_536, %add3A_524, %select_n3A_521 : vector<16xi1>, vector<16xi32>
        %add3A_538 = arith.constant 512 : i32
        %add3A_539 = vector.broadcast %add3A_538 : i32 to vector<16xi32>
        %add3A_540 = arith.addi %select_n3A_537, %add3A_539 : vector<16xi32>
        %le3A_541 = arith.constant 62500 : i32
        %le3A_542 = vector.broadcast %le3A_541 : i32 to vector<16xi32>
        %le3A_543 = arith.cmpi sle, %add3A_540, %le3A_542 : vector<16xi32>
        %min3A_544 = arith.constant 62500 : i32
        %min3A_545 = vector.broadcast %min3A_544 : i32 to vector<16xi32>
        %min3A_546 = arith.minsi %add3A_540, %min3A_545 : vector<16xi32>
        %sub3A_547 = arith.constant 1 : i32
        %sub3A_548 = vector.broadcast %sub3A_547 : i32 to vector<16xi32>
        %sub3A_549 = arith.subi %min3A_546, %sub3A_548 : vector<16xi32>
        %gather3A_550 = tpu.vector_load_idx %arg11[%sub3A_549] : memref<62500xf32, #tpu.memory_space<vmem>>[vector<16xi32>], vector<16xf32>,
        %lt3A_551 = arith.cmpf olt, %gather3A_550, %get3A_447 : vector<16xf32>
        %and3A_552 = arith.andi %le3A_543, %lt3A_551 : vector<16xi1>
        %select_n3A_553 = arith.select %and3A_552, %add3A_540, %select_n3A_537 : vector<16xi1>, vector<16xi32>
        %add3A_554 = arith.constant 256 : i32
        %add3A_555 = vector.broadcast %add3A_554 : i32 to vector<16xi32>
        %add3A_556 = arith.addi %select_n3A_553, %add3A_555 : vector<16xi32>
        %le3A_557 = arith.constant 62500 : i32
        %le3A_558 = vector.broadcast %le3A_557 : i32 to vector<16xi32>
        %le3A_559 = arith.cmpi sle, %add3A_556, %le3A_558 : vector<16xi32>
        %min3A_560 = arith.constant 62500 : i32
        %min3A_561 = vector.broadcast %min3A_560 : i32 to vector<16xi32>
        %min3A_562 = arith.minsi %add3A_556, %min3A_561 : vector<16xi32>
        %sub3A_563 = arith.constant 1 : i32
        %sub3A_564 = vector.broadcast %sub3A_563 : i32 to vector<16xi32>
        %sub3A_565 = arith.subi %min3A_562, %sub3A_564 : vector<16xi32>
        %gather3A_566 = tpu.vector_load_idx %arg11[%sub3A_565] : memref<62500xf32, #tpu.memory_space<vmem>>[vector<16xi32>], vector<16xf32>,
        %lt3A_567 = arith.cmpf olt, %gather3A_566, %get3A_447 : vector<16xf32>
        %and3A_568 = arith.andi %le3A_559, %lt3A_567 : vector<16xi1>
        %select_n3A_569 = arith.select %and3A_568, %add3A_556, %select_n3A_553 : vector<16xi1>, vector<16xi32>
        %add3A_570 = arith.constant 128 : i32
        %add3A_571 = vector.broadcast %add3A_570 : i32 to vector<16xi32>
        %add3A_572 = arith.addi %select_n3A_569, %add3A_571 : vector<16xi32>
        %le3A_573 = arith.constant 62500 : i32
        %le3A_574 = vector.broadcast %le3A_573 : i32 to vector<16xi32>
        %le3A_575 = arith.cmpi sle, %add3A_572, %le3A_574 : vector<16xi32>
        %min3A_576 = arith.constant 62500 : i32
        %min3A_577 = vector.broadcast %min3A_576 : i32 to vector<16xi32>
        %min3A_578 = arith.minsi %add3A_572, %min3A_577 : vector<16xi32>
        %sub3A_579 = arith.constant 1 : i32
        %sub3A_580 = vector.broadcast %sub3A_579 : i32 to vector<16xi32>
        %sub3A_581 = arith.subi %min3A_578, %sub3A_580 : vector<16xi32>
        %gather3A_582 = tpu.vector_load_idx %arg11[%sub3A_581] : memref<62500xf32, #tpu.memory_space<vmem>>[vector<16xi32>], vector<16xf32>,
        %lt3A_583 = arith.cmpf olt, %gather3A_582, %get3A_447 : vector<16xf32>
        %and3A_584 = arith.andi %le3A_575, %lt3A_583 : vector<16xi1>
        %select_n3A_585 = arith.select %and3A_584, %add3A_572, %select_n3A_569 : vector<16xi1>, vector<16xi32>
        %add3A_586 = arith.constant 64 : i32
        %add3A_587 = vector.broadcast %add3A_586 : i32 to vector<16xi32>
        %add3A_588 = arith.addi %select_n3A_585, %add3A_587 : vector<16xi32>
        %le3A_589 = arith.constant 62500 : i32
        %le3A_590 = vector.broadcast %le3A_589 : i32 to vector<16xi32>
        %le3A_591 = arith.cmpi sle, %add3A_588, %le3A_590 : vector<16xi32>
        %min3A_592 = arith.constant 62500 : i32
        %min3A_593 = vector.broadcast %min3A_592 : i32 to vector<16xi32>
        %min3A_594 = arith.minsi %add3A_588, %min3A_593 : vector<16xi32>
        %sub3A_595 = arith.constant 1 : i32
        %sub3A_596 = vector.broadcast %sub3A_595 : i32 to vector<16xi32>
        %sub3A_597 = arith.subi %min3A_594, %sub3A_596 : vector<16xi32>
        %gather3A_598 = tpu.vector_load_idx %arg11[%sub3A_597] : memref<62500xf32, #tpu.memory_space<vmem>>[vector<16xi32>], vector<16xf32>,
        %lt3A_599 = arith.cmpf olt, %gather3A_598, %get3A_447 : vector<16xf32>
        %and3A_600 = arith.andi %le3A_591, %lt3A_599 : vector<16xi1>
        %select_n3A_601 = arith.select %and3A_600, %add3A_588, %select_n3A_585 : vector<16xi1>, vector<16xi32>
        %add3A_602 = arith.constant 32 : i32
        %add3A_603 = vector.broadcast %add3A_602 : i32 to vector<16xi32>
        %add3A_604 = arith.addi %select_n3A_601, %add3A_603 : vector<16xi32>
        %le3A_605 = arith.constant 62500 : i32
        %le3A_606 = vector.broadcast %le3A_605 : i32 to vector<16xi32>
        %le3A_607 = arith.cmpi sle, %add3A_604, %le3A_606 : vector<16xi32>
        %min3A_608 = arith.constant 62500 : i32
        %min3A_609 = vector.broadcast %min3A_608 : i32 to vector<16xi32>
        %min3A_610 = arith.minsi %add3A_604, %min3A_609 : vector<16xi32>
        %sub3A_611 = arith.constant 1 : i32
        %sub3A_612 = vector.broadcast %sub3A_611 : i32 to vector<16xi32>
        %sub3A_613 = arith.subi %min3A_610, %sub3A_612 : vector<16xi32>
        %gather3A_614 = tpu.vector_load_idx %arg11[%sub3A_613] : memref<62500xf32, #tpu.memory_space<vmem>>[vector<16xi32>], vector<16xf32>,
        %lt3A_615 = arith.cmpf olt, %gather3A_614, %get3A_447 : vector<16xf32>
        %and3A_616 = arith.andi %le3A_607, %lt3A_615 : vector<16xi1>
        %select_n3A_617 = arith.select %and3A_616, %add3A_604, %select_n3A_601 : vector<16xi1>, vector<16xi32>
        %add3A_618 = arith.constant 16 : i32
        %add3A_619 = vector.broadcast %add3A_618 : i32 to vector<16xi32>
        %add3A_620 = arith.addi %select_n3A_617, %add3A_619 : vector<16xi32>
        %le3A_621 = arith.constant 62500 : i32
        %le3A_622 = vector.broadcast %le3A_621 : i32 to vector<16xi32>
        %le3A_623 = arith.cmpi sle, %add3A_620, %le3A_622 : vector<16xi32>
        %min3A_624 = arith.constant 62500 : i32
        %min3A_625 = vector.broadcast %min3A_624 : i32 to vector<16xi32>
        %min3A_626 = arith.minsi %add3A_620, %min3A_625 : vector<16xi32>
        %sub3A_627 = arith.constant 1 : i32
        %sub3A_628 = vector.broadcast %sub3A_627 : i32 to vector<16xi32>
        %sub3A_629 = arith.subi %min3A_626, %sub3A_628 : vector<16xi32>
        %gather3A_630 = tpu.vector_load_idx %arg11[%sub3A_629] : memref<62500xf32, #tpu.memory_space<vmem>>[vector<16xi32>], vector<16xf32>,
        %lt3A_631 = arith.cmpf olt, %gather3A_630, %get3A_447 : vector<16xf32>
        %and3A_632 = arith.andi %le3A_623, %lt3A_631 : vector<16xi1>
        %select_n3A_633 = arith.select %and3A_632, %add3A_620, %select_n3A_617 : vector<16xi1>, vector<16xi32>
        %add3A_634 = arith.constant 8 : i32
        %add3A_635 = vector.broadcast %add3A_634 : i32 to vector<16xi32>
        %add3A_636 = arith.addi %select_n3A_633, %add3A_635 : vector<16xi32>
        %le3A_637 = arith.constant 62500 : i32
        %le3A_638 = vector.broadcast %le3A_637 : i32 to vector<16xi32>
        %le3A_639 = arith.cmpi sle, %add3A_636, %le3A_638 : vector<16xi32>
        %min3A_640 = arith.constant 62500 : i32
        %min3A_641 = vector.broadcast %min3A_640 : i32 to vector<16xi32>
        %min3A_642 = arith.minsi %add3A_636, %min3A_641 : vector<16xi32>
        %sub3A_643 = arith.constant 1 : i32
        %sub3A_644 = vector.broadcast %sub3A_643 : i32 to vector<16xi32>
        %sub3A_645 = arith.subi %min3A_642, %sub3A_644 : vector<16xi32>
        %gather3A_646 = tpu.vector_load_idx %arg11[%sub3A_645] : memref<62500xf32, #tpu.memory_space<vmem>>[vector<16xi32>], vector<16xf32>,
        %lt3A_647 = arith.cmpf olt, %gather3A_646, %get3A_447 : vector<16xf32>
        %and3A_648 = arith.andi %le3A_639, %lt3A_647 : vector<16xi1>
        %select_n3A_649 = arith.select %and3A_648, %add3A_636, %select_n3A_633 : vector<16xi1>, vector<16xi32>
        %add3A_650 = arith.constant 4 : i32
        %add3A_651 = vector.broadcast %add3A_650 : i32 to vector<16xi32>
        %add3A_652 = arith.addi %select_n3A_649, %add3A_651 : vector<16xi32>
        %le3A_653 = arith.constant 62500 : i32
        %le3A_654 = vector.broadcast %le3A_653 : i32 to vector<16xi32>
        %le3A_655 = arith.cmpi sle, %add3A_652, %le3A_654 : vector<16xi32>
        %min3A_656 = arith.constant 62500 : i32
        %min3A_657 = vector.broadcast %min3A_656 : i32 to vector<16xi32>
        %min3A_658 = arith.minsi %add3A_652, %min3A_657 : vector<16xi32>
        %sub3A_659 = arith.constant 1 : i32
        %sub3A_660 = vector.broadcast %sub3A_659 : i32 to vector<16xi32>
        %sub3A_661 = arith.subi %min3A_658, %sub3A_660 : vector<16xi32>
        %gather3A_662 = tpu.vector_load_idx %arg11[%sub3A_661] : memref<62500xf32, #tpu.memory_space<vmem>>[vector<16xi32>], vector<16xf32>,
        %lt3A_663 = arith.cmpf olt, %gather3A_662, %get3A_447 : vector<16xf32>
        %and3A_664 = arith.andi %le3A_655, %lt3A_663 : vector<16xi1>
        %select_n3A_665 = arith.select %and3A_664, %add3A_652, %select_n3A_649 : vector<16xi1>, vector<16xi32>
        %add3A_666 = arith.constant 2 : i32
        %add3A_667 = vector.broadcast %add3A_666 : i32 to vector<16xi32>
        %add3A_668 = arith.addi %select_n3A_665, %add3A_667 : vector<16xi32>
        %le3A_669 = arith.constant 62500 : i32
        %le3A_670 = vector.broadcast %le3A_669 : i32 to vector<16xi32>
        %le3A_671 = arith.cmpi sle, %add3A_668, %le3A_670 : vector<16xi32>
        %min3A_672 = arith.constant 62500 : i32
        %min3A_673 = vector.broadcast %min3A_672 : i32 to vector<16xi32>
        %min3A_674 = arith.minsi %add3A_668, %min3A_673 : vector<16xi32>
        %sub3A_675 = arith.constant 1 : i32
        %sub3A_676 = vector.broadcast %sub3A_675 : i32 to vector<16xi32>
        %sub3A_677 = arith.subi %min3A_674, %sub3A_676 : vector<16xi32>
        %gather3A_678 = tpu.vector_load_idx %arg11[%sub3A_677] : memref<62500xf32, #tpu.memory_space<vmem>>[vector<16xi32>], vector<16xf32>,
        %lt3A_679 = arith.cmpf olt, %gather3A_678, %get3A_447 : vector<16xf32>
        %and3A_680 = arith.andi %le3A_671, %lt3A_679 : vector<16xi1>
        %select_n3A_681 = arith.select %and3A_680, %add3A_668, %select_n3A_665 : vector<16xi1>, vector<16xi32>
        %add3A_682 = arith.constant 1 : i32
        %add3A_683 = vector.broadcast %add3A_682 : i32 to vector<16xi32>
        %add3A_684 = arith.addi %select_n3A_681, %add3A_683 : vector<16xi32>
        %le3A_685 = arith.constant 62500 : i32
        %le3A_686 = vector.broadcast %le3A_685 : i32 to vector<16xi32>
        %le3A_687 = arith.cmpi sle, %add3A_684, %le3A_686 : vector<16xi32>
        %min3A_688 = arith.constant 62500 : i32
        %min3A_689 = vector.broadcast %min3A_688 : i32 to vector<16xi32>
        %min3A_690 = arith.minsi %add3A_684, %min3A_689 : vector<16xi32>
        %sub3A_691 = arith.constant 1 : i32
        %sub3A_692 = vector.broadcast %sub3A_691 : i32 to vector<16xi32>
        %sub3A_693 = arith.subi %min3A_690, %sub3A_692 : vector<16xi32>
        %gather3A_694 = tpu.vector_load_idx %arg11[%sub3A_693] : memref<62500xf32, #tpu.memory_space<vmem>>[vector<16xi32>], vector<16xf32>,
        %lt3A_695 = arith.cmpf olt, %gather3A_694, %get3A_447 : vector<16xf32>
        %and3A_696 = arith.andi %le3A_687, %lt3A_695 : vector<16xi1>
        %select_n3A_697 = arith.select %and3A_696, %add3A_684, %select_n3A_681 : vector<16xi1>, vector<16xi32>
        %sub3A_698 = arith.constant 1 : i32
        %sub3A_699 = vector.broadcast %sub3A_698 : i32 to vector<16xi32>
        %sub3A_700 = arith.subi %select_n3A_697, %sub3A_699 : vector<16xi32>
        %max3A = arith.constant 0 : i32
        %max3A_701 = vector.broadcast %max3A : i32 to vector<16xi32>
        %max3A_702 = arith.maxsi %sub3A_700, %max3A_701 : vector<16xi32>
        %mul3A_703 = arith.constant 16 : i32
        %mul3A_704 = arith.muli %scan3A_443, %mul3A_703 : i32
        %swap3A = arith.index_cast %mul3A_704 : i32 to index
        %swap3A_705 = tpu.vector_load %arg13[%swap3A] {strides = array<i32>} : memref<1024xi32, #tpu.memory_space<vmem>>, vector<16xi32>,
        tpu.vector_store %arg13[%swap3A], %max3A_702 {strides = array<i32>} : memref<1024xi32, #tpu.memory_space<vmem>>, vector<16xi32>,
        %scan3A_706 = arith.constant 0 : i32
        scf.yield %scan3A_706 : i32
      }
      %scan3A_20 = arith.constant 64 : i32
      %dma_start3A = arith.constant 0 : i32
      %dma_start3A_21 = arith.constant 0 : i32
      %dma_start3A_22 = tpu.memref_slice %arg14[%dma_start3A, %dma_start3A_21] : memref<1024x16xf32, #tpu.memory_space<vmem>> -> memref<128x16xf32, #tpu.memory_space<vmem>>
      %dma_start3A_23 = arith.constant 0 : i32
      %dma_start3A_24 = tpu.memref_slice %arg13[%dma_start3A_23] : memref<1024xi32, #tpu.memory_space<vmem>> -> memref<128xi32, #tpu.memory_space<vmem>>
      %dma_start3A_25 = arith.constant 0 : i32
      %dma_start3A_26 = arith.constant 0 : i32
      %dma_start3A_27 = tpu.memref_slice %arg2[%dma_start3A_25, %dma_start3A_26] : memref<62500x16xf32, #tpu.memory_space<hbm>> -> memref<62500x16xf32, #tpu.memory_space<hbm>>
      tpu.enqueue_indirect_dma source(%dma_start3A_27 : memref<62500x16xf32, #tpu.memory_space<hbm>>) target(%dma_start3A_22 : memref<128x16xf32, #tpu.memory_space<vmem>>) offsets(%dma_start3A_24 : memref<128xi32, #tpu.memory_space<vmem>>) semaphore(%arg19 : memref<!tpu.dma_semaphore, #tpu.memory_space<semaphore_mem>>)
      %dma_start3A_28 = arith.constant 128 : i32
      %dma_start3A_29 = arith.constant 0 : i32
      %dma_start3A_30 = tpu.memref_slice %arg14[%dma_start3A_28, %dma_start3A_29] : memref<1024x16xf32, #tpu.memory_space<vmem>> -> memref<128x16xf32, #tpu.memory_space<vmem>>
      %dma_start3A_31 = arith.constant 128 : i32
      %dma_start3A_32 = tpu.memref_slice %arg13[%dma_start3A_31] : memref<1024xi32, #tpu.memory_space<vmem>> -> memref<128xi32, #tpu.memory_space<vmem>>
      %dma_start3A_33 = arith.constant 0 : i32
      %dma_start3A_34 = arith.constant 0 : i32
      %dma_start3A_35 = tpu.memref_slice %arg2[%dma_start3A_33, %dma_start3A_34] : memref<62500x16xf32, #tpu.memory_space<hbm>> -> memref<62500x16xf32, #tpu.memory_space<hbm>>
      tpu.enqueue_indirect_dma source(%dma_start3A_35 : memref<62500x16xf32, #tpu.memory_space<hbm>>) target(%dma_start3A_30 : memref<128x16xf32, #tpu.memory_space<vmem>>) offsets(%dma_start3A_32 : memref<128xi32, #tpu.memory_space<vmem>>) semaphore(%arg19 : memref<!tpu.dma_semaphore, #tpu.memory_space<semaphore_mem>>)
      %dma_start3A_36 = arith.constant 256 : i32
      %dma_start3A_37 = arith.constant 0 : i32
      %dma_start3A_38 = tpu.memref_slice %arg14[%dma_start3A_36, %dma_start3A_37] : memref<1024x16xf32, #tpu.memory_space<vmem>> -> memref<128x16xf32, #tpu.memory_space<vmem>>
      %dma_start3A_39 = arith.constant 256 : i32
      %dma_start3A_40 = tpu.memref_slice %arg13[%dma_start3A_39] : memref<1024xi32, #tpu.memory_space<vmem>> -> memref<128xi32, #tpu.memory_space<vmem>>
      %dma_start3A_41 = arith.constant 0 : i32
      %dma_start3A_42 = arith.constant 0 : i32
      %dma_start3A_43 = tpu.memref_slice %arg2[%dma_start3A_41, %dma_start3A_42] : memref<62500x16xf32, #tpu.memory_space<hbm>> -> memref<62500x16xf32, #tpu.memory_space<hbm>>
      tpu.enqueue_indirect_dma source(%dma_start3A_43 : memref<62500x16xf32, #tpu.memory_space<hbm>>) target(%dma_start3A_38 : memref<128x16xf32, #tpu.memory_space<vmem>>) offsets(%dma_start3A_40 : memref<128xi32, #tpu.memory_space<vmem>>) semaphore(%arg19 : memref<!tpu.dma_semaphore, #tpu.memory_space<semaphore_mem>>)
      %dma_start3A_44 = arith.constant 384 : i32
      %dma_start3A_45 = arith.constant 0 : i32
      %dma_start3A_46 = tpu.memref_slice %arg14[%dma_start3A_44, %dma_start3A_45] : memref<1024x16xf32, #tpu.memory_space<vmem>> -> memref<128x16xf32, #tpu.memory_space<vmem>>
      %dma_start3A_47 = arith.constant 384 : i32
      %dma_start3A_48 = tpu.memref_slice %arg13[%dma_start3A_47] : memref<1024xi32, #tpu.memory_space<vmem>> -> memref<128xi32, #tpu.memory_space<vmem>>
      %dma_start3A_49 = arith.constant 0 : i32
      %dma_start3A_50 = arith.constant 0 : i32
      %dma_start3A_51 = tpu.memref_slice %arg2[%dma_start3A_49, %dma_start3A_50] : memref<62500x16xf32, #tpu.memory_space<hbm>> -> memref<62500x16xf32, #tpu.memory_space<hbm>>
      tpu.enqueue_indirect_dma source(%dma_start3A_51 : memref<62500x16xf32, #tpu.memory_space<hbm>>) target(%dma_start3A_46 : memref<128x16xf32, #tpu.memory_space<vmem>>) offsets(%dma_start3A_48 : memref<128xi32, #tpu.memory_space<vmem>>) semaphore(%arg19 : memref<!tpu.dma_semaphore, #tpu.memory_space<semaphore_mem>>)
      %dma_start3A_52 = arith.constant 512 : i32
      %dma_start3A_53 = arith.constant 0 : i32
      %dma_start3A_54 = tpu.memref_slice %arg14[%dma_start3A_52, %dma_start3A_53] : memref<1024x16xf32, #tpu.memory_space<vmem>> -> memref<128x16xf32, #tpu.memory_space<vmem>>
      %dma_start3A_55 = arith.constant 512 : i32
      %dma_start3A_56 = tpu.memref_slice %arg13[%dma_start3A_55] : memref<1024xi32, #tpu.memory_space<vmem>> -> memref<128xi32, #tpu.memory_space<vmem>>
      %dma_start3A_57 = arith.constant 0 : i32
      %dma_start3A_58 = arith.constant 0 : i32
      %dma_start3A_59 = tpu.memref_slice %arg2[%dma_start3A_57, %dma_start3A_58] : memref<62500x16xf32, #tpu.memory_space<hbm>> -> memref<62500x16xf32, #tpu.memory_space<hbm>>
      tpu.enqueue_indirect_dma source(%dma_start3A_59 : memref<62500x16xf32, #tpu.memory_space<hbm>>) target(%dma_start3A_54 : memref<128x16xf32, #tpu.memory_space<vmem>>) offsets(%dma_start3A_56 : memref<128xi32, #tpu.memory_space<vmem>>) semaphore(%arg19 : memref<!tpu.dma_semaphore, #tpu.memory_space<semaphore_mem>>)
      %dma_start3A_60 = arith.constant 640 : i32
      %dma_start3A_61 = arith.constant 0 : i32
      %dma_start3A_62 = tpu.memref_slice %arg14[%dma_start3A_60, %dma_start3A_61] : memref<1024x16xf32, #tpu.memory_space<vmem>> -> memref<128x16xf32, #tpu.memory_space<vmem>>
      %dma_start3A_63 = arith.constant 640 : i32
      %dma_start3A_64 = tpu.memref_slice %arg13[%dma_start3A_63] : memref<1024xi32, #tpu.memory_space<vmem>> -> memref<128xi32, #tpu.memory_space<vmem>>
      %dma_start3A_65 = arith.constant 0 : i32
      %dma_start3A_66 = arith.constant 0 : i32
      %dma_start3A_67 = tpu.memref_slice %arg2[%dma_start3A_65, %dma_start3A_66] : memref<62500x16xf32, #tpu.memory_space<hbm>> -> memref<62500x16xf32, #tpu.memory_space<hbm>>
      tpu.enqueue_indirect_dma source(%dma_start3A_67 : memref<62500x16xf32, #tpu.memory_space<hbm>>) target(%dma_start3A_62 : memref<128x16xf32, #tpu.memory_space<vmem>>) offsets(%dma_start3A_64 : memref<128xi32, #tpu.memory_space<vmem>>) semaphore(%arg19 : memref<!tpu.dma_semaphore, #tpu.memory_space<semaphore_mem>>)
      %dma_start3A_68 = arith.constant 768 : i32
      %dma_start3A_69 = arith.constant 0 : i32
      %dma_start3A_70 = tpu.memref_slice %arg14[%dma_start3A_68, %dma_start3A_69] : memref<1024x16xf32, #tpu.memory_space<vmem>> -> memref<128x16xf32, #tpu.memory_space<vmem>>
      %dma_start3A_71 = arith.constant 768 : i32
      %dma_start3A_72 = tpu.memref_slice %arg13[%dma_start3A_71] : memref<1024xi32, #tpu.memory_space<vmem>> -> memref<128xi32, #tpu.memory_space<vmem>>
      %dma_start3A_73 = arith.constant 0 : i32
      %dma_start3A_74 = arith.constant 0 : i32
      %dma_start3A_75 = tpu.memref_slice %arg2[%dma_start3A_73, %dma_start3A_74] : memref<62500x16xf32, #tpu.memory_space<hbm>> -> memref<62500x16xf32, #tpu.memory_space<hbm>>
      tpu.enqueue_indirect_dma source(%dma_start3A_75 : memref<62500x16xf32, #tpu.memory_space<hbm>>) target(%dma_start3A_70 : memref<128x16xf32, #tpu.memory_space<vmem>>) offsets(%dma_start3A_72 : memref<128xi32, #tpu.memory_space<vmem>>) semaphore(%arg19 : memref<!tpu.dma_semaphore, #tpu.memory_space<semaphore_mem>>)
      %dma_start3A_76 = arith.constant 896 : i32
      %dma_start3A_77 = arith.constant 0 : i32
      %dma_start3A_78 = tpu.memref_slice %arg14[%dma_start3A_76, %dma_start3A_77] : memref<1024x16xf32, #tpu.memory_space<vmem>> -> memref<128x16xf32, #tpu.memory_space<vmem>>
      %dma_start3A_79 = arith.constant 896 : i32
      %dma_start3A_80 = tpu.memref_slice %arg13[%dma_start3A_79] : memref<1024xi32, #tpu.memory_space<vmem>> -> memref<128xi32, #tpu.memory_space<vmem>>
      %dma_start3A_81 = arith.constant 0 : i32
      %dma_start3A_82 = arith.constant 0 : i32
      %dma_start3A_83 = tpu.memref_slice %arg2[%dma_start3A_81, %dma_start3A_82] : memref<62500x16xf32, #tpu.memory_space<hbm>> -> memref<62500x16xf32, #tpu.memory_space<hbm>>
      tpu.enqueue_indirect_dma source(%dma_start3A_83 : memref<62500x16xf32, #tpu.memory_space<hbm>>) target(%dma_start3A_78 : memref<128x16xf32, #tpu.memory_space<vmem>>) offsets(%dma_start3A_80 : memref<128xi32, #tpu.memory_space<vmem>>) semaphore(%arg19 : memref<!tpu.dma_semaphore, #tpu.memory_space<semaphore_mem>>)
      %dma_wait3A = arith.constant 0 : i32
      %dma_wait3A_84 = arith.constant 0 : i32
      %dma_wait3A_85 = tpu.memref_slice %arg14[%dma_wait3A, %dma_wait3A_84] : memref<1024x16xf32, #tpu.memory_space<vmem>> -> memref<128x16xf32, #tpu.memory_space<vmem>>
      %dma_wait3A_86 = arith.constant 0 : i32
      %dma_wait3A_87 = tpu.memref_slice %arg13[%dma_wait3A_86] : memref<1024xi32, #tpu.memory_space<vmem>> -> memref<128xi32, #tpu.memory_space<vmem>>
      %dma_wait3A_88 = arith.constant 0 : i32
      %dma_wait3A_89 = arith.constant 0 : i32
      %dma_wait3A_90 = tpu.memref_slice %arg2[%dma_wait3A_88, %dma_wait3A_89] : memref<62500x16xf32, #tpu.memory_space<hbm>> -> memref<62500x16xf32, #tpu.memory_space<hbm>>
      tpu.wait_indirect_dma semaphore(%arg19 : memref<!tpu.dma_semaphore, #tpu.memory_space<semaphore_mem>>) src(%dma_wait3A_90 : memref<62500x16xf32, #tpu.memory_space<hbm>>) dst(%dma_wait3A_85 : memref<128x16xf32, #tpu.memory_space<vmem>>)
      %dma_wait3A_91 = arith.constant 128 : i32
      %dma_wait3A_92 = arith.constant 0 : i32
      %dma_wait3A_93 = tpu.memref_slice %arg14[%dma_wait3A_91, %dma_wait3A_92] : memref<1024x16xf32, #tpu.memory_space<vmem>> -> memref<128x16xf32, #tpu.memory_space<vmem>>
      %dma_wait3A_94 = arith.constant 128 : i32
      %dma_wait3A_95 = tpu.memref_slice %arg13[%dma_wait3A_94] : memref<1024xi32, #tpu.memory_space<vmem>> -> memref<128xi32, #tpu.memory_space<vmem>>
      %dma_wait3A_96 = arith.constant 0 : i32
      %dma_wait3A_97 = arith.constant 0 : i32
      %dma_wait3A_98 = tpu.memref_slice %arg2[%dma_wait3A_96, %dma_wait3A_97] : memref<62500x16xf32, #tpu.memory_space<hbm>> -> memref<62500x16xf32, #tpu.memory_space<hbm>>
      tpu.wait_indirect_dma semaphore(%arg19 : memref<!tpu.dma_semaphore, #tpu.memory_space<semaphore_mem>>) src(%dma_wait3A_98 : memref<62500x16xf32, #tpu.memory_space<hbm>>) dst(%dma_wait3A_93 : memref<128x16xf32, #tpu.memory_space<vmem>>)
      %dma_wait3A_99 = arith.constant 256 : i32
      %dma_wait3A_100 = arith.constant 0 : i32
      %dma_wait3A_101 = tpu.memref_slice %arg14[%dma_wait3A_99, %dma_wait3A_100] : memref<1024x16xf32, #tpu.memory_space<vmem>> -> memref<128x16xf32, #tpu.memory_space<vmem>>
      %dma_wait3A_102 = arith.constant 256 : i32
      %dma_wait3A_103 = tpu.memref_slice %arg13[%dma_wait3A_102] : memref<1024xi32, #tpu.memory_space<vmem>> -> memref<128xi32, #tpu.memory_space<vmem>>
      %dma_wait3A_104 = arith.constant 0 : i32
      %dma_wait3A_105 = arith.constant 0 : i32
      %dma_wait3A_106 = tpu.memref_slice %arg2[%dma_wait3A_104, %dma_wait3A_105] : memref<62500x16xf32, #tpu.memory_space<hbm>> -> memref<62500x16xf32, #tpu.memory_space<hbm>>
      tpu.wait_indirect_dma semaphore(%arg19 : memref<!tpu.dma_semaphore, #tpu.memory_space<semaphore_mem>>) src(%dma_wait3A_106 : memref<62500x16xf32, #tpu.memory_space<hbm>>) dst(%dma_wait3A_101 : memref<128x16xf32, #tpu.memory_space<vmem>>)
      %dma_wait3A_107 = arith.constant 384 : i32
      %dma_wait3A_108 = arith.constant 0 : i32
      %dma_wait3A_109 = tpu.memref_slice %arg14[%dma_wait3A_107, %dma_wait3A_108] : memref<1024x16xf32, #tpu.memory_space<vmem>> -> memref<128x16xf32, #tpu.memory_space<vmem>>
      %dma_wait3A_110 = arith.constant 384 : i32
      %dma_wait3A_111 = tpu.memref_slice %arg13[%dma_wait3A_110] : memref<1024xi32, #tpu.memory_space<vmem>> -> memref<128xi32, #tpu.memory_space<vmem>>
      %dma_wait3A_112 = arith.constant 0 : i32
      %dma_wait3A_113 = arith.constant 0 : i32
      %dma_wait3A_114 = tpu.memref_slice %arg2[%dma_wait3A_112, %dma_wait3A_113] : memref<62500x16xf32, #tpu.memory_space<hbm>> -> memref<62500x16xf32, #tpu.memory_space<hbm>>
      tpu.wait_indirect_dma semaphore(%arg19 : memref<!tpu.dma_semaphore, #tpu.memory_space<semaphore_mem>>) src(%dma_wait3A_114 : memref<62500x16xf32, #tpu.memory_space<hbm>>) dst(%dma_wait3A_109 : memref<128x16xf32, #tpu.memory_space<vmem>>)
      %dma_wait3A_115 = arith.constant 512 : i32
      %dma_wait3A_116 = arith.constant 0 : i32
      %dma_wait3A_117 = tpu.memref_slice %arg14[%dma_wait3A_115, %dma_wait3A_116] : memref<1024x16xf32, #tpu.memory_space<vmem>> -> memref<128x16xf32, #tpu.memory_space<vmem>>
      %dma_wait3A_118 = arith.constant 512 : i32
      %dma_wait3A_119 = tpu.memref_slice %arg13[%dma_wait3A_118] : memref<1024xi32, #tpu.memory_space<vmem>> -> memref<128xi32, #tpu.memory_space<vmem>>
      %dma_wait3A_120 = arith.constant 0 : i32
      %dma_wait3A_121 = arith.constant 0 : i32
      %dma_wait3A_122 = tpu.memref_slice %arg2[%dma_wait3A_120, %dma_wait3A_121] : memref<62500x16xf32, #tpu.memory_space<hbm>> -> memref<62500x16xf32, #tpu.memory_space<hbm>>
      tpu.wait_indirect_dma semaphore(%arg19 : memref<!tpu.dma_semaphore, #tpu.memory_space<semaphore_mem>>) src(%dma_wait3A_122 : memref<62500x16xf32, #tpu.memory_space<hbm>>) dst(%dma_wait3A_117 : memref<128x16xf32, #tpu.memory_space<vmem>>)
      %dma_wait3A_123 = arith.constant 640 : i32
      %dma_wait3A_124 = arith.constant 0 : i32
      %dma_wait3A_125 = tpu.memref_slice %arg14[%dma_wait3A_123, %dma_wait3A_124] : memref<1024x16xf32, #tpu.memory_space<vmem>> -> memref<128x16xf32, #tpu.memory_space<vmem>>
      %dma_wait3A_126 = arith.constant 640 : i32
      %dma_wait3A_127 = tpu.memref_slice %arg13[%dma_wait3A_126] : memref<1024xi32, #tpu.memory_space<vmem>> -> memref<128xi32, #tpu.memory_space<vmem>>
      %dma_wait3A_128 = arith.constant 0 : i32
      %dma_wait3A_129 = arith.constant 0 : i32
      %dma_wait3A_130 = tpu.memref_slice %arg2[%dma_wait3A_128, %dma_wait3A_129] : memref<62500x16xf32, #tpu.memory_space<hbm>> -> memref<62500x16xf32, #tpu.memory_space<hbm>>
      tpu.wait_indirect_dma semaphore(%arg19 : memref<!tpu.dma_semaphore, #tpu.memory_space<semaphore_mem>>) src(%dma_wait3A_130 : memref<62500x16xf32, #tpu.memory_space<hbm>>) dst(%dma_wait3A_125 : memref<128x16xf32, #tpu.memory_space<vmem>>)
      %dma_wait3A_131 = arith.constant 768 : i32
      %dma_wait3A_132 = arith.constant 0 : i32
      %dma_wait3A_133 = tpu.memref_slice %arg14[%dma_wait3A_131, %dma_wait3A_132] : memref<1024x16xf32, #tpu.memory_space<vmem>> -> memref<128x16xf32, #tpu.memory_space<vmem>>
      %dma_wait3A_134 = arith.constant 768 : i32
      %dma_wait3A_135 = tpu.memref_slice %arg13[%dma_wait3A_134] : memref<1024xi32, #tpu.memory_space<vmem>> -> memref<128xi32, #tpu.memory_space<vmem>>
      %dma_wait3A_136 = arith.constant 0 : i32
      %dma_wait3A_137 = arith.constant 0 : i32
      %dma_wait3A_138 = tpu.memref_slice %arg2[%dma_wait3A_136, %dma_wait3A_137] : memref<62500x16xf32, #tpu.memory_space<hbm>> -> memref<62500x16xf32, #tpu.memory_space<hbm>>
      tpu.wait_indirect_dma semaphore(%arg19 : memref<!tpu.dma_semaphore, #tpu.memory_space<semaphore_mem>>) src(%dma_wait3A_138 : memref<62500x16xf32, #tpu.memory_space<hbm>>) dst(%dma_wait3A_133 : memref<128x16xf32, #tpu.memory_space<vmem>>)
      %dma_wait3A_139 = arith.constant 896 : i32
      %dma_wait3A_140 = arith.constant 0 : i32
      %dma_wait3A_141 = tpu.memref_slice %arg14[%dma_wait3A_139, %dma_wait3A_140] : memref<1024x16xf32, #tpu.memory_space<vmem>> -> memref<128x16xf32, #tpu.memory_space<vmem>>
      %dma_wait3A_142 = arith.constant 896 : i32
      %dma_wait3A_143 = tpu.memref_slice %arg13[%dma_wait3A_142] : memref<1024xi32, #tpu.memory_space<vmem>> -> memref<128xi32, #tpu.memory_space<vmem>>
      %dma_wait3A_144 = arith.constant 0 : i32
      %dma_wait3A_145 = arith.constant 0 : i32
      %dma_wait3A_146 = tpu.memref_slice %arg2[%dma_wait3A_144, %dma_wait3A_145] : memref<62500x16xf32, #tpu.memory_space<hbm>> -> memref<62500x16xf32, #tpu.memory_space<hbm>>
      tpu.wait_indirect_dma semaphore(%arg19 : memref<!tpu.dma_semaphore, #tpu.memory_space<semaphore_mem>>) src(%dma_wait3A_146 : memref<62500x16xf32, #tpu.memory_space<hbm>>) dst(%dma_wait3A_141 : memref<128x16xf32, #tpu.memory_space<vmem>>)
      %scan3A_147 = arith.constant 0 : i32
      %scan3A_148 = arith.constant 0 : i32
      %scan3A_149 = arith.constant 64 : i32
      %scan3A_150 = arith.addi %scan3A_148, %scan3A_149 : i32
      %scan3A_151 = arith.constant 1 : i32
      %scan3A_152 = scf.for %scan3A_443 = %scan3A_148 to %scan3A_150 step %scan3A_151 iter_args(%scan3A_444 = %scan3A_147) -> (i32)  : i32 {
        %mul3A_445 = arith.constant 16 : i32
        %mul3A_446 = arith.muli %scan3A_443, %mul3A_445 : i32
        %get3A = arith.index_cast %mul3A_446 : i32 to index
        %get3A_447 = tpu.vector_load %arg12[%get3A] {strides = array<i32>} : memref<1024xf32, #tpu.memory_space<vmem>>, vector<16xf32>,
        %mul3A_448 = arith.constant 16 : i32
        %mul3A_449 = arith.muli %scan3A_443, %mul3A_448 : i32
        %get3A_450 = arith.index_cast %mul3A_449 : i32 to index
        %get3A_451 = tpu.vector_load %arg13[%get3A_450] {strides = array<i32>} : memref<1024xi32, #tpu.memory_space<vmem>>, vector<16xi32>,
        %mul3A_452 = arith.constant 16 : i32
        %mul3A_453 = arith.muli %scan3A_443, %mul3A_452 : i32
        %add3A_454 = vector.broadcast %mul3A_453 : i32 to vector<16xi32>
        %add3A_455 = arith.addi %iota3A, %add3A_454 : vector<16xi32>
        %broadcast_in_dim3A = arith.constant 0 : i32
        %broadcast_in_dim3A_456 = vector.broadcast %broadcast_in_dim3A : i32 to vector<16xi32>
        %broadcast_in_dim3A_457 = arith.constant 0 : i32
        %broadcast_in_dim3A_458 = vector.broadcast %broadcast_in_dim3A_457 : i32 to vector<16xi32>
        %gather3A = tpu.vector_load_idx %arg14[%add3A_455, %broadcast_in_dim3A_458] : memref<1024x16xf32, #tpu.memory_space<vmem>>[vector<16xi32>, vector<16xi32>], vector<16xf32>,
        %lt3A = arith.cmpf olt, %gather3A, %get3A_447 : vector<16xf32>
        %jit3A = arith.constant 1 : i32
        %jit3A_459 = arith.constant 0 : i32
        %broadcast_in_dim3A_460 = vector.broadcast %jit3A : i32 to vector<16xi32>
        %broadcast_in_dim3A_461 = vector.broadcast %jit3A_459 : i32 to vector<16xi32>
        %select_n3A = arith.select %lt3A, %broadcast_in_dim3A_460, %broadcast_in_dim3A_461 : vector<16xi1>, vector<16xi32>
        %add3A_462 = arith.addi %broadcast_in_dim3A_456, %select_n3A : vector<16xi32>
        %broadcast_in_dim3A_463 = arith.constant 1 : i32
        %broadcast_in_dim3A_464 = vector.broadcast %broadcast_in_dim3A_463 : i32 to vector<16xi32>
        %gather3A_465 = tpu.vector_load_idx %arg14[%add3A_455, %broadcast_in_dim3A_464] : memref<1024x16xf32, #tpu.memory_space<vmem>>[vector<16xi32>, vector<16xi32>], vector<16xf32>,
        %lt3A_466 = arith.cmpf olt, %gather3A_465, %get3A_447 : vector<16xf32>
        %jit3A_467 = arith.constant 1 : i32
        %jit3A_468 = arith.constant 0 : i32
        %broadcast_in_dim3A_469 = vector.broadcast %jit3A_467 : i32 to vector<16xi32>
        %broadcast_in_dim3A_470 = vector.broadcast %jit3A_468 : i32 to vector<16xi32>
        %select_n3A_471 = arith.select %lt3A_466, %broadcast_in_dim3A_469, %broadcast_in_dim3A_470 : vector<16xi1>, vector<16xi32>
        %add3A_472 = arith.addi %add3A_462, %select_n3A_471 : vector<16xi32>
        %broadcast_in_dim3A_473 = arith.constant 2 : i32
        %broadcast_in_dim3A_474 = vector.broadcast %broadcast_in_dim3A_473 : i32 to vector<16xi32>
        %gather3A_475 = tpu.vector_load_idx %arg14[%add3A_455, %broadcast_in_dim3A_474] : memref<1024x16xf32, #tpu.memory_space<vmem>>[vector<16xi32>, vector<16xi32>], vector<16xf32>,
        %lt3A_476 = arith.cmpf olt, %gather3A_475, %get3A_447 : vector<16xf32>
        %jit3A_477 = arith.constant 1 : i32
        %jit3A_478 = arith.constant 0 : i32
        %broadcast_in_dim3A_479 = vector.broadcast %jit3A_477 : i32 to vector<16xi32>
        %broadcast_in_dim3A_480 = vector.broadcast %jit3A_478 : i32 to vector<16xi32>
        %select_n3A_481 = arith.select %lt3A_476, %broadcast_in_dim3A_479, %broadcast_in_dim3A_480 : vector<16xi1>, vector<16xi32>
        %add3A_482 = arith.addi %add3A_472, %select_n3A_481 : vector<16xi32>
        %broadcast_in_dim3A_483 = arith.constant 3 : i32
        %broadcast_in_dim3A_484 = vector.broadcast %broadcast_in_dim3A_483 : i32 to vector<16xi32>
        %gather3A_485 = tpu.vector_load_idx %arg14[%add3A_455, %broadcast_in_dim3A_484] : memref<1024x16xf32, #tpu.memory_space<vmem>>[vector<16xi32>, vector<16xi32>], vector<16xf32>,
        %lt3A_486 = arith.cmpf olt, %gather3A_485, %get3A_447 : vector<16xf32>
        %jit3A_487 = arith.constant 1 : i32
        %jit3A_488 = arith.constant 0 : i32
        %broadcast_in_dim3A_489 = vector.broadcast %jit3A_487 : i32 to vector<16xi32>
        %broadcast_in_dim3A_490 = vector.broadcast %jit3A_488 : i32 to vector<16xi32>
        %select_n3A_491 = arith.select %lt3A_486, %broadcast_in_dim3A_489, %broadcast_in_dim3A_490 : vector<16xi1>, vector<16xi32>
        %add3A_492 = arith.addi %add3A_482, %select_n3A_491 : vector<16xi32>
        %broadcast_in_dim3A_493 = arith.constant 4 : i32
        %broadcast_in_dim3A_494 = vector.broadcast %broadcast_in_dim3A_493 : i32 to vector<16xi32>
        %gather3A_495 = tpu.vector_load_idx %arg14[%add3A_455, %broadcast_in_dim3A_494] : memref<1024x16xf32, #tpu.memory_space<vmem>>[vector<16xi32>, vector<16xi32>], vector<16xf32>,
        %lt3A_496 = arith.cmpf olt, %gather3A_495, %get3A_447 : vector<16xf32>
        %jit3A_497 = arith.constant 1 : i32
        %jit3A_498 = arith.constant 0 : i32
        %broadcast_in_dim3A_499 = vector.broadcast %jit3A_497 : i32 to vector<16xi32>
        %broadcast_in_dim3A_500 = vector.broadcast %jit3A_498 : i32 to vector<16xi32>
        %select_n3A_501 = arith.select %lt3A_496, %broadcast_in_dim3A_499, %broadcast_in_dim3A_500 : vector<16xi1>, vector<16xi32>
        %add3A_502 = arith.addi %add3A_492, %select_n3A_501 : vector<16xi32>
        %broadcast_in_dim3A_503 = arith.constant 5 : i32
        %broadcast_in_dim3A_504 = vector.broadcast %broadcast_in_dim3A_503 : i32 to vector<16xi32>
        %gather3A_505 = tpu.vector_load_idx %arg14[%add3A_455, %broadcast_in_dim3A_504] : memref<1024x16xf32, #tpu.memory_space<vmem>>[vector<16xi32>, vector<16xi32>], vector<16xf32>,
        %lt3A_506 = arith.cmpf olt, %gather3A_505, %get3A_447 : vector<16xf32>
        %jit3A_507 = arith.constant 1 : i32
        %jit3A_508 = arith.constant 0 : i32
        %broadcast_in_dim3A_509 = vector.broadcast %jit3A_507 : i32 to vector<16xi32>
        %broadcast_in_dim3A_510 = vector.broadcast %jit3A_508 : i32 to vector<16xi32>
        %select_n3A_511 = arith.select %lt3A_506, %broadcast_in_dim3A_509, %broadcast_in_dim3A_510 : vector<16xi1>, vector<16xi32>
        %add3A_512 = arith.addi %add3A_502, %select_n3A_511 : vector<16xi32>
        %broadcast_in_dim3A_513 = arith.constant 6 : i32
        %broadcast_in_dim3A_514 = vector.broadcast %broadcast_in_dim3A_513 : i32 to vector<16xi32>
        %gather3A_515 = tpu.vector_load_idx %arg14[%add3A_455, %broadcast_in_dim3A_514] : memref<1024x16xf32, #tpu.memory_space<vmem>>[vector<16xi32>, vector<16xi32>], vector<16xf32>,
        %lt3A_516 = arith.cmpf olt, %gather3A_515, %get3A_447 : vector<16xf32>
        %jit3A_517 = arith.constant 1 : i32
        %jit3A_518 = arith.constant 0 : i32
        %broadcast_in_dim3A_519 = vector.broadcast %jit3A_517 : i32 to vector<16xi32>
        %broadcast_in_dim3A_520 = vector.broadcast %jit3A_518 : i32 to vector<16xi32>
        %select_n3A_521 = arith.select %lt3A_516, %broadcast_in_dim3A_519, %broadcast_in_dim3A_520 : vector<16xi1>, vector<16xi32>
        %add3A_522 = arith.addi %add3A_512, %select_n3A_521 : vector<16xi32>
        %broadcast_in_dim3A_523 = arith.constant 7 : i32
        %broadcast_in_dim3A_524 = vector.broadcast %broadcast_in_dim3A_523 : i32 to vector<16xi32>
        %gather3A_525 = tpu.vector_load_idx %arg14[%add3A_455, %broadcast_in_dim3A_524] : memref<1024x16xf32, #tpu.memory_space<vmem>>[vector<16xi32>, vector<16xi32>], vector<16xf32>,
        %lt3A_526 = arith.cmpf olt, %gather3A_525, %get3A_447 : vector<16xf32>
        %jit3A_527 = arith.constant 1 : i32
        %jit3A_528 = arith.constant 0 : i32
        %broadcast_in_dim3A_529 = vector.broadcast %jit3A_527 : i32 to vector<16xi32>
        %broadcast_in_dim3A_530 = vector.broadcast %jit3A_528 : i32 to vector<16xi32>
        %select_n3A_531 = arith.select %lt3A_526, %broadcast_in_dim3A_529, %broadcast_in_dim3A_530 : vector<16xi1>, vector<16xi32>
        %add3A_532 = arith.addi %add3A_522, %select_n3A_531 : vector<16xi32>
        %broadcast_in_dim3A_533 = arith.constant 8 : i32
        %broadcast_in_dim3A_534 = vector.broadcast %broadcast_in_dim3A_533 : i32 to vector<16xi32>
        %gather3A_535 = tpu.vector_load_idx %arg14[%add3A_455, %broadcast_in_dim3A_534] : memref<1024x16xf32, #tpu.memory_space<vmem>>[vector<16xi32>, vector<16xi32>], vector<16xf32>,
        %lt3A_536 = arith.cmpf olt, %gather3A_535, %get3A_447 : vector<16xf32>
        %jit3A_537 = arith.constant 1 : i32
        %jit3A_538 = arith.constant 0 : i32
        %broadcast_in_dim3A_539 = vector.broadcast %jit3A_537 : i32 to vector<16xi32>
        %broadcast_in_dim3A_540 = vector.broadcast %jit3A_538 : i32 to vector<16xi32>
        %select_n3A_541 = arith.select %lt3A_536, %broadcast_in_dim3A_539, %broadcast_in_dim3A_540 : vector<16xi1>, vector<16xi32>
        %add3A_542 = arith.addi %add3A_532, %select_n3A_541 : vector<16xi32>
        %broadcast_in_dim3A_543 = arith.constant 9 : i32
        %broadcast_in_dim3A_544 = vector.broadcast %broadcast_in_dim3A_543 : i32 to vector<16xi32>
        %gather3A_545 = tpu.vector_load_idx %arg14[%add3A_455, %broadcast_in_dim3A_544] : memref<1024x16xf32, #tpu.memory_space<vmem>>[vector<16xi32>, vector<16xi32>], vector<16xf32>,
        %lt3A_546 = arith.cmpf olt, %gather3A_545, %get3A_447 : vector<16xf32>
        %jit3A_547 = arith.constant 1 : i32
        %jit3A_548 = arith.constant 0 : i32
        %broadcast_in_dim3A_549 = vector.broadcast %jit3A_547 : i32 to vector<16xi32>
        %broadcast_in_dim3A_550 = vector.broadcast %jit3A_548 : i32 to vector<16xi32>
        %select_n3A_551 = arith.select %lt3A_546, %broadcast_in_dim3A_549, %broadcast_in_dim3A_550 : vector<16xi1>, vector<16xi32>
        %add3A_552 = arith.addi %add3A_542, %select_n3A_551 : vector<16xi32>
        %broadcast_in_dim3A_553 = arith.constant 10 : i32
        %broadcast_in_dim3A_554 = vector.broadcast %broadcast_in_dim3A_553 : i32 to vector<16xi32>
        %gather3A_555 = tpu.vector_load_idx %arg14[%add3A_455, %broadcast_in_dim3A_554] : memref<1024x16xf32, #tpu.memory_space<vmem>>[vector<16xi32>, vector<16xi32>], vector<16xf32>,
        %lt3A_556 = arith.cmpf olt, %gather3A_555, %get3A_447 : vector<16xf32>
        %jit3A_557 = arith.constant 1 : i32
        %jit3A_558 = arith.constant 0 : i32
        %broadcast_in_dim3A_559 = vector.broadcast %jit3A_557 : i32 to vector<16xi32>
        %broadcast_in_dim3A_560 = vector.broadcast %jit3A_558 : i32 to vector<16xi32>
        %select_n3A_561 = arith.select %lt3A_556, %broadcast_in_dim3A_559, %broadcast_in_dim3A_560 : vector<16xi1>, vector<16xi32>
        %add3A_562 = arith.addi %add3A_552, %select_n3A_561 : vector<16xi32>
        %broadcast_in_dim3A_563 = arith.constant 11 : i32
        %broadcast_in_dim3A_564 = vector.broadcast %broadcast_in_dim3A_563 : i32 to vector<16xi32>
        %gather3A_565 = tpu.vector_load_idx %arg14[%add3A_455, %broadcast_in_dim3A_564] : memref<1024x16xf32, #tpu.memory_space<vmem>>[vector<16xi32>, vector<16xi32>], vector<16xf32>,
        %lt3A_566 = arith.cmpf olt, %gather3A_565, %get3A_447 : vector<16xf32>
        %jit3A_567 = arith.constant 1 : i32
        %jit3A_568 = arith.constant 0 : i32
        %broadcast_in_dim3A_569 = vector.broadcast %jit3A_567 : i32 to vector<16xi32>
        %broadcast_in_dim3A_570 = vector.broadcast %jit3A_568 : i32 to vector<16xi32>
        %select_n3A_571 = arith.select %lt3A_566, %broadcast_in_dim3A_569, %broadcast_in_dim3A_570 : vector<16xi1>, vector<16xi32>
        %add3A_572 = arith.addi %add3A_562, %select_n3A_571 : vector<16xi32>
        %broadcast_in_dim3A_573 = arith.constant 12 : i32
        %broadcast_in_dim3A_574 = vector.broadcast %broadcast_in_dim3A_573 : i32 to vector<16xi32>
        %gather3A_575 = tpu.vector_load_idx %arg14[%add3A_455, %broadcast_in_dim3A_574] : memref<1024x16xf32, #tpu.memory_space<vmem>>[vector<16xi32>, vector<16xi32>], vector<16xf32>,
        %lt3A_576 = arith.cmpf olt, %gather3A_575, %get3A_447 : vector<16xf32>
        %jit3A_577 = arith.constant 1 : i32
        %jit3A_578 = arith.constant 0 : i32
        %broadcast_in_dim3A_579 = vector.broadcast %jit3A_577 : i32 to vector<16xi32>
        %broadcast_in_dim3A_580 = vector.broadcast %jit3A_578 : i32 to vector<16xi32>
        %select_n3A_581 = arith.select %lt3A_576, %broadcast_in_dim3A_579, %broadcast_in_dim3A_580 : vector<16xi1>, vector<16xi32>
        %add3A_582 = arith.addi %add3A_572, %select_n3A_581 : vector<16xi32>
        %broadcast_in_dim3A_583 = arith.constant 13 : i32
        %broadcast_in_dim3A_584 = vector.broadcast %broadcast_in_dim3A_583 : i32 to vector<16xi32>
        %gather3A_585 = tpu.vector_load_idx %arg14[%add3A_455, %broadcast_in_dim3A_584] : memref<1024x16xf32, #tpu.memory_space<vmem>>[vector<16xi32>, vector<16xi32>], vector<16xf32>,
        %lt3A_586 = arith.cmpf olt, %gather3A_585, %get3A_447 : vector<16xf32>
        %jit3A_587 = arith.constant 1 : i32
        %jit3A_588 = arith.constant 0 : i32
        %broadcast_in_dim3A_589 = vector.broadcast %jit3A_587 : i32 to vector<16xi32>
        %broadcast_in_dim3A_590 = vector.broadcast %jit3A_588 : i32 to vector<16xi32>
        %select_n3A_591 = arith.select %lt3A_586, %broadcast_in_dim3A_589, %broadcast_in_dim3A_590 : vector<16xi1>, vector<16xi32>
        %add3A_592 = arith.addi %add3A_582, %select_n3A_591 : vector<16xi32>
        %broadcast_in_dim3A_593 = arith.constant 14 : i32
        %broadcast_in_dim3A_594 = vector.broadcast %broadcast_in_dim3A_593 : i32 to vector<16xi32>
        %gather3A_595 = tpu.vector_load_idx %arg14[%add3A_455, %broadcast_in_dim3A_594] : memref<1024x16xf32, #tpu.memory_space<vmem>>[vector<16xi32>, vector<16xi32>], vector<16xf32>,
        %lt3A_596 = arith.cmpf olt, %gather3A_595, %get3A_447 : vector<16xf32>
        %jit3A_597 = arith.constant 1 : i32
        %jit3A_598 = arith.constant 0 : i32
        %broadcast_in_dim3A_599 = vector.broadcast %jit3A_597 : i32 to vector<16xi32>
        %broadcast_in_dim3A_600 = vector.broadcast %jit3A_598 : i32 to vector<16xi32>
        %select_n3A_601 = arith.select %lt3A_596, %broadcast_in_dim3A_599, %broadcast_in_dim3A_600 : vector<16xi1>, vector<16xi32>
        %add3A_602 = arith.addi %add3A_592, %select_n3A_601 : vector<16xi32>
        %broadcast_in_dim3A_603 = arith.constant 15 : i32
        %broadcast_in_dim3A_604 = vector.broadcast %broadcast_in_dim3A_603 : i32 to vector<16xi32>
        %gather3A_605 = tpu.vector_load_idx %arg14[%add3A_455, %broadcast_in_dim3A_604] : memref<1024x16xf32, #tpu.memory_space<vmem>>[vector<16xi32>, vector<16xi32>], vector<16xf32>,
        %lt3A_606 = arith.cmpf olt, %gather3A_605, %get3A_447 : vector<16xf32>
        %jit3A_607 = arith.constant 1 : i32
        %jit3A_608 = arith.constant 0 : i32
        %broadcast_in_dim3A_609 = vector.broadcast %jit3A_607 : i32 to vector<16xi32>
        %broadcast_in_dim3A_610 = vector.broadcast %jit3A_608 : i32 to vector<16xi32>
        %select_n3A_611 = arith.select %lt3A_606, %broadcast_in_dim3A_609, %broadcast_in_dim3A_610 : vector<16xi1>, vector<16xi32>
        %add3A_612 = arith.addi %add3A_602, %select_n3A_611 : vector<16xi32>
        %mul3A_613 = arith.constant 16 : i32
        %mul3A_614 = vector.broadcast %mul3A_613 : i32 to vector<16xi32>
        %mul3A_615 = arith.muli %get3A_451, %mul3A_614 : vector<16xi32>
        %add3A_616 = arith.addi %mul3A_615, %add3A_612 : vector<16xi32>
        %min3A = arith.constant 999999 : i32
        %min3A_617 = vector.broadcast %min3A : i32 to vector<16xi32>
        %min3A_618 = arith.minsi %add3A_616, %min3A_617 : vector<16xi32>
        %mul3A_619 = arith.constant 16 : i32
        %mul3A_620 = arith.muli %scan3A_443, %mul3A_619 : i32
        %swap3A = arith.index_cast %mul3A_620 : i32 to index
        %swap3A_621 = tpu.vector_load %arg15[%swap3A] {strides = array<i32>} : memref<1024xi32, #tpu.memory_space<vmem>>, vector<16xi32>,
        tpu.vector_store %arg15[%swap3A], %min3A_618 {strides = array<i32>} : memref<1024xi32, #tpu.memory_space<vmem>>, vector<16xi32>,
        %scan3A_622 = arith.constant 0 : i32
        scf.yield %scan3A_622 : i32
      }
      %scan3A_153 = arith.constant 64 : i32
      %dma_start3A_154 = arith.constant 0 : i32
      %dma_start3A_155 = tpu.memref_slice %arg16[%dma_start3A_154] : memref<1024xf32, #tpu.memory_space<vmem>> -> memref<128xf32, #tpu.memory_space<vmem>>
      %dma_start3A_156 = arith.constant 0 : i32
      %dma_start3A_157 = tpu.memref_slice %arg15[%dma_start3A_156] : memref<1024xi32, #tpu.memory_space<vmem>> -> memref<128xi32, #tpu.memory_space<vmem>>
      %dma_start3A_158 = arith.constant 0 : i32
      %dma_start3A_159 = tpu.memref_slice %arg5[%dma_start3A_158] : memref<1000000xf32, #tpu.memory_space<hbm>> -> memref<1000000xf32, #tpu.memory_space<hbm>>
      tpu.enqueue_indirect_dma source(%dma_start3A_159 : memref<1000000xf32, #tpu.memory_space<hbm>>) target(%dma_start3A_155 : memref<128xf32, #tpu.memory_space<vmem>>) offsets(%dma_start3A_157 : memref<128xi32, #tpu.memory_space<vmem>>) semaphore(%arg19 : memref<!tpu.dma_semaphore, #tpu.memory_space<semaphore_mem>>)
      %dma_start3A_160 = arith.constant 0 : i32
      %dma_start3A_161 = tpu.memref_slice %arg17[%dma_start3A_160] : memref<1024xf32, #tpu.memory_space<vmem>> -> memref<128xf32, #tpu.memory_space<vmem>>
      %dma_start3A_162 = arith.constant 0 : i32
      %dma_start3A_163 = tpu.memref_slice %arg15[%dma_start3A_162] : memref<1024xi32, #tpu.memory_space<vmem>> -> memref<128xi32, #tpu.memory_space<vmem>>
      %dma_start3A_164 = arith.constant 0 : i32
      %dma_start3A_165 = tpu.memref_slice %arg6[%dma_start3A_164] : memref<1000000xf32, #tpu.memory_space<hbm>> -> memref<1000000xf32, #tpu.memory_space<hbm>>
      tpu.enqueue_indirect_dma source(%dma_start3A_165 : memref<1000000xf32, #tpu.memory_space<hbm>>) target(%dma_start3A_161 : memref<128xf32, #tpu.memory_space<vmem>>) offsets(%dma_start3A_163 : memref<128xi32, #tpu.memory_space<vmem>>) semaphore(%arg19 : memref<!tpu.dma_semaphore, #tpu.memory_space<semaphore_mem>>)
      %dma_start3A_166 = arith.constant 0 : i32
      %dma_start3A_167 = tpu.memref_slice %arg18[%dma_start3A_166] : memref<1024xf32, #tpu.memory_space<vmem>> -> memref<128xf32, #tpu.memory_space<vmem>>
      %dma_start3A_168 = arith.constant 0 : i32
      %dma_start3A_169 = tpu.memref_slice %arg15[%dma_start3A_168] : memref<1024xi32, #tpu.memory_space<vmem>> -> memref<128xi32, #tpu.memory_space<vmem>>
      %dma_start3A_170 = arith.constant 0 : i32
      %dma_start3A_171 = tpu.memref_slice %arg7[%dma_start3A_170] : memref<1000000xf32, #tpu.memory_space<hbm>> -> memref<1000000xf32, #tpu.memory_space<hbm>>
      tpu.enqueue_indirect_dma source(%dma_start3A_171 : memref<1000000xf32, #tpu.memory_space<hbm>>) target(%dma_start3A_167 : memref<128xf32, #tpu.memory_space<vmem>>) offsets(%dma_start3A_169 : memref<128xi32, #tpu.memory_space<vmem>>) semaphore(%arg19 : memref<!tpu.dma_semaphore, #tpu.memory_space<semaphore_mem>>)
      %dma_start3A_172 = arith.constant 128 : i32
      %dma_start3A_173 = tpu.memref_slice %arg16[%dma_start3A_172] : memref<1024xf32, #tpu.memory_space<vmem>> -> memref<128xf32, #tpu.memory_space<vmem>>
      %dma_start3A_174 = arith.constant 128 : i32
      %dma_start3A_175 = tpu.memref_slice %arg15[%dma_start3A_174] : memref<1024xi32, #tpu.memory_space<vmem>> -> memref<128xi32, #tpu.memory_space<vmem>>
      %dma_start3A_176 = arith.constant 0 : i32
      %dma_start3A_177 = tpu.memref_slice %arg5[%dma_start3A_176] : memref<1000000xf32, #tpu.memory_space<hbm>> -> memref<1000000xf32, #tpu.memory_space<hbm>>
      tpu.enqueue_indirect_dma source(%dma_start3A_177 : memref<1000000xf32, #tpu.memory_space<hbm>>) target(%dma_start3A_173 : memref<128xf32, #tpu.memory_space<vmem>>) offsets(%dma_start3A_175 : memref<128xi32, #tpu.memory_space<vmem>>) semaphore(%arg19 : memref<!tpu.dma_semaphore, #tpu.memory_space<semaphore_mem>>)
      %dma_start3A_178 = arith.constant 128 : i32
      %dma_start3A_179 = tpu.memref_slice %arg17[%dma_start3A_178] : memref<1024xf32, #tpu.memory_space<vmem>> -> memref<128xf32, #tpu.memory_space<vmem>>
      %dma_start3A_180 = arith.constant 128 : i32
      %dma_start3A_181 = tpu.memref_slice %arg15[%dma_start3A_180] : memref<1024xi32, #tpu.memory_space<vmem>> -> memref<128xi32, #tpu.memory_space<vmem>>
      %dma_start3A_182 = arith.constant 0 : i32
      %dma_start3A_183 = tpu.memref_slice %arg6[%dma_start3A_182] : memref<1000000xf32, #tpu.memory_space<hbm>> -> memref<1000000xf32, #tpu.memory_space<hbm>>
      tpu.enqueue_indirect_dma source(%dma_start3A_183 : memref<1000000xf32, #tpu.memory_space<hbm>>) target(%dma_start3A_179 : memref<128xf32, #tpu.memory_space<vmem>>) offsets(%dma_start3A_181 : memref<128xi32, #tpu.memory_space<vmem>>) semaphore(%arg19 : memref<!tpu.dma_semaphore, #tpu.memory_space<semaphore_mem>>)
      %dma_start3A_184 = arith.constant 128 : i32
      %dma_start3A_185 = tpu.memref_slice %arg18[%dma_start3A_184] : memref<1024xf32, #tpu.memory_space<vmem>> -> memref<128xf32, #tpu.memory_space<vmem>>
      %dma_start3A_186 = arith.constant 128 : i32
      %dma_start3A_187 = tpu.memref_slice %arg15[%dma_start3A_186] : memref<1024xi32, #tpu.memory_space<vmem>> -> memref<128xi32, #tpu.memory_space<vmem>>
      %dma_start3A_188 = arith.constant 0 : i32
      %dma_start3A_189 = tpu.memref_slice %arg7[%dma_start3A_188] : memref<1000000xf32, #tpu.memory_space<hbm>> -> memref<1000000xf32, #tpu.memory_space<hbm>>
      tpu.enqueue_indirect_dma source(%dma_start3A_189 : memref<1000000xf32, #tpu.memory_space<hbm>>) target(%dma_start3A_185 : memref<128xf32, #tpu.memory_space<vmem>>) offsets(%dma_start3A_187 : memref<128xi32, #tpu.memory_space<vmem>>) semaphore(%arg19 : memref<!tpu.dma_semaphore, #tpu.memory_space<semaphore_mem>>)
      %dma_start3A_190 = arith.constant 256 : i32
      %dma_start3A_191 = tpu.memref_slice %arg16[%dma_start3A_190] : memref<1024xf32, #tpu.memory_space<vmem>> -> memref<128xf32, #tpu.memory_space<vmem>>
      %dma_start3A_192 = arith.constant 256 : i32
      %dma_start3A_193 = tpu.memref_slice %arg15[%dma_start3A_192] : memref<1024xi32, #tpu.memory_space<vmem>> -> memref<128xi32, #tpu.memory_space<vmem>>
      %dma_start3A_194 = arith.constant 0 : i32
      %dma_start3A_195 = tpu.memref_slice %arg5[%dma_start3A_194] : memref<1000000xf32, #tpu.memory_space<hbm>> -> memref<1000000xf32, #tpu.memory_space<hbm>>
      tpu.enqueue_indirect_dma source(%dma_start3A_195 : memref<1000000xf32, #tpu.memory_space<hbm>>) target(%dma_start3A_191 : memref<128xf32, #tpu.memory_space<vmem>>) offsets(%dma_start3A_193 : memref<128xi32, #tpu.memory_space<vmem>>) semaphore(%arg19 : memref<!tpu.dma_semaphore, #tpu.memory_space<semaphore_mem>>)
      %dma_start3A_196 = arith.constant 256 : i32
      %dma_start3A_197 = tpu.memref_slice %arg17[%dma_start3A_196] : memref<1024xf32, #tpu.memory_space<vmem>> -> memref<128xf32, #tpu.memory_space<vmem>>
      %dma_start3A_198 = arith.constant 256 : i32
      %dma_start3A_199 = tpu.memref_slice %arg15[%dma_start3A_198] : memref<1024xi32, #tpu.memory_space<vmem>> -> memref<128xi32, #tpu.memory_space<vmem>>
      %dma_start3A_200 = arith.constant 0 : i32
      %dma_start3A_201 = tpu.memref_slice %arg6[%dma_start3A_200] : memref<1000000xf32, #tpu.memory_space<hbm>> -> memref<1000000xf32, #tpu.memory_space<hbm>>
      tpu.enqueue_indirect_dma source(%dma_start3A_201 : memref<1000000xf32, #tpu.memory_space<hbm>>) target(%dma_start3A_197 : memref<128xf32, #tpu.memory_space<vmem>>) offsets(%dma_start3A_199 : memref<128xi32, #tpu.memory_space<vmem>>) semaphore(%arg19 : memref<!tpu.dma_semaphore, #tpu.memory_space<semaphore_mem>>)
      %dma_start3A_202 = arith.constant 256 : i32
      %dma_start3A_203 = tpu.memref_slice %arg18[%dma_start3A_202] : memref<1024xf32, #tpu.memory_space<vmem>> -> memref<128xf32, #tpu.memory_space<vmem>>
      %dma_start3A_204 = arith.constant 256 : i32
      %dma_start3A_205 = tpu.memref_slice %arg15[%dma_start3A_204] : memref<1024xi32, #tpu.memory_space<vmem>> -> memref<128xi32, #tpu.memory_space<vmem>>
      %dma_start3A_206 = arith.constant 0 : i32
      %dma_start3A_207 = tpu.memref_slice %arg7[%dma_start3A_206] : memref<1000000xf32, #tpu.memory_space<hbm>> -> memref<1000000xf32, #tpu.memory_space<hbm>>
      tpu.enqueue_indirect_dma source(%dma_start3A_207 : memref<1000000xf32, #tpu.memory_space<hbm>>) target(%dma_start3A_203 : memref<128xf32, #tpu.memory_space<vmem>>) offsets(%dma_start3A_205 : memref<128xi32, #tpu.memory_space<vmem>>) semaphore(%arg19 : memref<!tpu.dma_semaphore, #tpu.memory_space<semaphore_mem>>)
      %dma_start3A_208 = arith.constant 384 : i32
      %dma_start3A_209 = tpu.memref_slice %arg16[%dma_start3A_208] : memref<1024xf32, #tpu.memory_space<vmem>> -> memref<128xf32, #tpu.memory_space<vmem>>
      %dma_start3A_210 = arith.constant 384 : i32
      %dma_start3A_211 = tpu.memref_slice %arg15[%dma_start3A_210] : memref<1024xi32, #tpu.memory_space<vmem>> -> memref<128xi32, #tpu.memory_space<vmem>>
      %dma_start3A_212 = arith.constant 0 : i32
      %dma_start3A_213 = tpu.memref_slice %arg5[%dma_start3A_212] : memref<1000000xf32, #tpu.memory_space<hbm>> -> memref<1000000xf32, #tpu.memory_space<hbm>>
      tpu.enqueue_indirect_dma source(%dma_start3A_213 : memref<1000000xf32, #tpu.memory_space<hbm>>) target(%dma_start3A_209 : memref<128xf32, #tpu.memory_space<vmem>>) offsets(%dma_start3A_211 : memref<128xi32, #tpu.memory_space<vmem>>) semaphore(%arg19 : memref<!tpu.dma_semaphore, #tpu.memory_space<semaphore_mem>>)
      %dma_start3A_214 = arith.constant 384 : i32
      %dma_start3A_215 = tpu.memref_slice %arg17[%dma_start3A_214] : memref<1024xf32, #tpu.memory_space<vmem>> -> memref<128xf32, #tpu.memory_space<vmem>>
      %dma_start3A_216 = arith.constant 384 : i32
      %dma_start3A_217 = tpu.memref_slice %arg15[%dma_start3A_216] : memref<1024xi32, #tpu.memory_space<vmem>> -> memref<128xi32, #tpu.memory_space<vmem>>
      %dma_start3A_218 = arith.constant 0 : i32
      %dma_start3A_219 = tpu.memref_slice %arg6[%dma_start3A_218] : memref<1000000xf32, #tpu.memory_space<hbm>> -> memref<1000000xf32, #tpu.memory_space<hbm>>
      tpu.enqueue_indirect_dma source(%dma_start3A_219 : memref<1000000xf32, #tpu.memory_space<hbm>>) target(%dma_start3A_215 : memref<128xf32, #tpu.memory_space<vmem>>) offsets(%dma_start3A_217 : memref<128xi32, #tpu.memory_space<vmem>>) semaphore(%arg19 : memref<!tpu.dma_semaphore, #tpu.memory_space<semaphore_mem>>)
      %dma_start3A_220 = arith.constant 384 : i32
      %dma_start3A_221 = tpu.memref_slice %arg18[%dma_start3A_220] : memref<1024xf32, #tpu.memory_space<vmem>> -> memref<128xf32, #tpu.memory_space<vmem>>
      %dma_start3A_222 = arith.constant 384 : i32
      %dma_start3A_223 = tpu.memref_slice %arg15[%dma_start3A_222] : memref<1024xi32, #tpu.memory_space<vmem>> -> memref<128xi32, #tpu.memory_space<vmem>>
      %dma_start3A_224 = arith.constant 0 : i32
      %dma_start3A_225 = tpu.memref_slice %arg7[%dma_start3A_224] : memref<1000000xf32, #tpu.memory_space<hbm>> -> memref<1000000xf32, #tpu.memory_space<hbm>>
      tpu.enqueue_indirect_dma source(%dma_start3A_225 : memref<1000000xf32, #tpu.memory_space<hbm>>) target(%dma_start3A_221 : memref<128xf32, #tpu.memory_space<vmem>>) offsets(%dma_start3A_223 : memref<128xi32, #tpu.memory_space<vmem>>) semaphore(%arg19 : memref<!tpu.dma_semaphore, #tpu.memory_space<semaphore_mem>>)
      %dma_start3A_226 = arith.constant 512 : i32
      %dma_start3A_227 = tpu.memref_slice %arg16[%dma_start3A_226] : memref<1024xf32, #tpu.memory_space<vmem>> -> memref<128xf32, #tpu.memory_space<vmem>>
      %dma_start3A_228 = arith.constant 512 : i32
      %dma_start3A_229 = tpu.memref_slice %arg15[%dma_start3A_228] : memref<1024xi32, #tpu.memory_space<vmem>> -> memref<128xi32, #tpu.memory_space<vmem>>
      %dma_start3A_230 = arith.constant 0 : i32
      %dma_start3A_231 = tpu.memref_slice %arg5[%dma_start3A_230] : memref<1000000xf32, #tpu.memory_space<hbm>> -> memref<1000000xf32, #tpu.memory_space<hbm>>
      tpu.enqueue_indirect_dma source(%dma_start3A_231 : memref<1000000xf32, #tpu.memory_space<hbm>>) target(%dma_start3A_227 : memref<128xf32, #tpu.memory_space<vmem>>) offsets(%dma_start3A_229 : memref<128xi32, #tpu.memory_space<vmem>>) semaphore(%arg19 : memref<!tpu.dma_semaphore, #tpu.memory_space<semaphore_mem>>)
      %dma_start3A_232 = arith.constant 512 : i32
      %dma_start3A_233 = tpu.memref_slice %arg17[%dma_start3A_232] : memref<1024xf32, #tpu.memory_space<vmem>> -> memref<128xf32, #tpu.memory_space<vmem>>
      %dma_start3A_234 = arith.constant 512 : i32
      %dma_start3A_235 = tpu.memref_slice %arg15[%dma_start3A_234] : memref<1024xi32, #tpu.memory_space<vmem>> -> memref<128xi32, #tpu.memory_space<vmem>>
      %dma_start3A_236 = arith.constant 0 : i32
      %dma_start3A_237 = tpu.memref_slice %arg6[%dma_start3A_236] : memref<1000000xf32, #tpu.memory_space<hbm>> -> memref<1000000xf32, #tpu.memory_space<hbm>>
      tpu.enqueue_indirect_dma source(%dma_start3A_237 : memref<1000000xf32, #tpu.memory_space<hbm>>) target(%dma_start3A_233 : memref<128xf32, #tpu.memory_space<vmem>>) offsets(%dma_start3A_235 : memref<128xi32, #tpu.memory_space<vmem>>) semaphore(%arg19 : memref<!tpu.dma_semaphore, #tpu.memory_space<semaphore_mem>>)
      %dma_start3A_238 = arith.constant 512 : i32
      %dma_start3A_239 = tpu.memref_slice %arg18[%dma_start3A_238] : memref<1024xf32, #tpu.memory_space<vmem>> -> memref<128xf32, #tpu.memory_space<vmem>>
      %dma_start3A_240 = arith.constant 512 : i32
      %dma_start3A_241 = tpu.memref_slice %arg15[%dma_start3A_240] : memref<1024xi32, #tpu.memory_space<vmem>> -> memref<128xi32, #tpu.memory_space<vmem>>
      %dma_start3A_242 = arith.constant 0 : i32
      %dma_start3A_243 = tpu.memref_slice %arg7[%dma_start3A_242] : memref<1000000xf32, #tpu.memory_space<hbm>> -> memref<1000000xf32, #tpu.memory_space<hbm>>
      tpu.enqueue_indirect_dma source(%dma_start3A_243 : memref<1000000xf32, #tpu.memory_space<hbm>>) target(%dma_start3A_239 : memref<128xf32, #tpu.memory_space<vmem>>) offsets(%dma_start3A_241 : memref<128xi32, #tpu.memory_space<vmem>>) semaphore(%arg19 : memref<!tpu.dma_semaphore, #tpu.memory_space<semaphore_mem>>)
      %dma_start3A_244 = arith.constant 640 : i32
      %dma_start3A_245 = tpu.memref_slice %arg16[%dma_start3A_244] : memref<1024xf32, #tpu.memory_space<vmem>> -> memref<128xf32, #tpu.memory_space<vmem>>
      %dma_start3A_246 = arith.constant 640 : i32
      %dma_start3A_247 = tpu.memref_slice %arg15[%dma_start3A_246] : memref<1024xi32, #tpu.memory_space<vmem>> -> memref<128xi32, #tpu.memory_space<vmem>>
      %dma_start3A_248 = arith.constant 0 : i32
      %dma_start3A_249 = tpu.memref_slice %arg5[%dma_start3A_248] : memref<1000000xf32, #tpu.memory_space<hbm>> -> memref<1000000xf32, #tpu.memory_space<hbm>>
      tpu.enqueue_indirect_dma source(%dma_start3A_249 : memref<1000000xf32, #tpu.memory_space<hbm>>) target(%dma_start3A_245 : memref<128xf32, #tpu.memory_space<vmem>>) offsets(%dma_start3A_247 : memref<128xi32, #tpu.memory_space<vmem>>) semaphore(%arg19 : memref<!tpu.dma_semaphore, #tpu.memory_space<semaphore_mem>>)
      %dma_start3A_250 = arith.constant 640 : i32
      %dma_start3A_251 = tpu.memref_slice %arg17[%dma_start3A_250] : memref<1024xf32, #tpu.memory_space<vmem>> -> memref<128xf32, #tpu.memory_space<vmem>>
      %dma_start3A_252 = arith.constant 640 : i32
      %dma_start3A_253 = tpu.memref_slice %arg15[%dma_start3A_252] : memref<1024xi32, #tpu.memory_space<vmem>> -> memref<128xi32, #tpu.memory_space<vmem>>
      %dma_start3A_254 = arith.constant 0 : i32
      %dma_start3A_255 = tpu.memref_slice %arg6[%dma_start3A_254] : memref<1000000xf32, #tpu.memory_space<hbm>> -> memref<1000000xf32, #tpu.memory_space<hbm>>
      tpu.enqueue_indirect_dma source(%dma_start3A_255 : memref<1000000xf32, #tpu.memory_space<hbm>>) target(%dma_start3A_251 : memref<128xf32, #tpu.memory_space<vmem>>) offsets(%dma_start3A_253 : memref<128xi32, #tpu.memory_space<vmem>>) semaphore(%arg19 : memref<!tpu.dma_semaphore, #tpu.memory_space<semaphore_mem>>)
      %dma_start3A_256 = arith.constant 640 : i32
      %dma_start3A_257 = tpu.memref_slice %arg18[%dma_start3A_256] : memref<1024xf32, #tpu.memory_space<vmem>> -> memref<128xf32, #tpu.memory_space<vmem>>
      %dma_start3A_258 = arith.constant 640 : i32
      %dma_start3A_259 = tpu.memref_slice %arg15[%dma_start3A_258] : memref<1024xi32, #tpu.memory_space<vmem>> -> memref<128xi32, #tpu.memory_space<vmem>>
      %dma_start3A_260 = arith.constant 0 : i32
      %dma_start3A_261 = tpu.memref_slice %arg7[%dma_start3A_260] : memref<1000000xf32, #tpu.memory_space<hbm>> -> memref<1000000xf32, #tpu.memory_space<hbm>>
      tpu.enqueue_indirect_dma source(%dma_start3A_261 : memref<1000000xf32, #tpu.memory_space<hbm>>) target(%dma_start3A_257 : memref<128xf32, #tpu.memory_space<vmem>>) offsets(%dma_start3A_259 : memref<128xi32, #tpu.memory_space<vmem>>) semaphore(%arg19 : memref<!tpu.dma_semaphore, #tpu.memory_space<semaphore_mem>>)
      %dma_start3A_262 = arith.constant 768 : i32
      %dma_start3A_263 = tpu.memref_slice %arg16[%dma_start3A_262] : memref<1024xf32, #tpu.memory_space<vmem>> -> memref<128xf32, #tpu.memory_space<vmem>>
      %dma_start3A_264 = arith.constant 768 : i32
      %dma_start3A_265 = tpu.memref_slice %arg15[%dma_start3A_264] : memref<1024xi32, #tpu.memory_space<vmem>> -> memref<128xi32, #tpu.memory_space<vmem>>
      %dma_start3A_266 = arith.constant 0 : i32
      %dma_start3A_267 = tpu.memref_slice %arg5[%dma_start3A_266] : memref<1000000xf32, #tpu.memory_space<hbm>> -> memref<1000000xf32, #tpu.memory_space<hbm>>
      tpu.enqueue_indirect_dma source(%dma_start3A_267 : memref<1000000xf32, #tpu.memory_space<hbm>>) target(%dma_start3A_263 : memref<128xf32, #tpu.memory_space<vmem>>) offsets(%dma_start3A_265 : memref<128xi32, #tpu.memory_space<vmem>>) semaphore(%arg19 : memref<!tpu.dma_semaphore, #tpu.memory_space<semaphore_mem>>)
      %dma_start3A_268 = arith.constant 768 : i32
      %dma_start3A_269 = tpu.memref_slice %arg17[%dma_start3A_268] : memref<1024xf32, #tpu.memory_space<vmem>> -> memref<128xf32, #tpu.memory_space<vmem>>
      %dma_start3A_270 = arith.constant 768 : i32
      %dma_start3A_271 = tpu.memref_slice %arg15[%dma_start3A_270] : memref<1024xi32, #tpu.memory_space<vmem>> -> memref<128xi32, #tpu.memory_space<vmem>>
      %dma_start3A_272 = arith.constant 0 : i32
      %dma_start3A_273 = tpu.memref_slice %arg6[%dma_start3A_272] : memref<1000000xf32, #tpu.memory_space<hbm>> -> memref<1000000xf32, #tpu.memory_space<hbm>>
      tpu.enqueue_indirect_dma source(%dma_start3A_273 : memref<1000000xf32, #tpu.memory_space<hbm>>) target(%dma_start3A_269 : memref<128xf32, #tpu.memory_space<vmem>>) offsets(%dma_start3A_271 : memref<128xi32, #tpu.memory_space<vmem>>) semaphore(%arg19 : memref<!tpu.dma_semaphore, #tpu.memory_space<semaphore_mem>>)
      %dma_start3A_274 = arith.constant 768 : i32
      %dma_start3A_275 = tpu.memref_slice %arg18[%dma_start3A_274] : memref<1024xf32, #tpu.memory_space<vmem>> -> memref<128xf32, #tpu.memory_space<vmem>>
      %dma_start3A_276 = arith.constant 768 : i32
      %dma_start3A_277 = tpu.memref_slice %arg15[%dma_start3A_276] : memref<1024xi32, #tpu.memory_space<vmem>> -> memref<128xi32, #tpu.memory_space<vmem>>
      %dma_start3A_278 = arith.constant 0 : i32
      %dma_start3A_279 = tpu.memref_slice %arg7[%dma_start3A_278] : memref<1000000xf32, #tpu.memory_space<hbm>> -> memref<1000000xf32, #tpu.memory_space<hbm>>
      tpu.enqueue_indirect_dma source(%dma_start3A_279 : memref<1000000xf32, #tpu.memory_space<hbm>>) target(%dma_start3A_275 : memref<128xf32, #tpu.memory_space<vmem>>) offsets(%dma_start3A_277 : memref<128xi32, #tpu.memory_space<vmem>>) semaphore(%arg19 : memref<!tpu.dma_semaphore, #tpu.memory_space<semaphore_mem>>)
      %dma_start3A_280 = arith.constant 896 : i32
      %dma_start3A_281 = tpu.memref_slice %arg16[%dma_start3A_280] : memref<1024xf32, #tpu.memory_space<vmem>> -> memref<128xf32, #tpu.memory_space<vmem>>
      %dma_start3A_282 = arith.constant 896 : i32
      %dma_start3A_283 = tpu.memref_slice %arg15[%dma_start3A_282] : memref<1024xi32, #tpu.memory_space<vmem>> -> memref<128xi32, #tpu.memory_space<vmem>>
      %dma_start3A_284 = arith.constant 0 : i32
      %dma_start3A_285 = tpu.memref_slice %arg5[%dma_start3A_284] : memref<1000000xf32, #tpu.memory_space<hbm>> -> memref<1000000xf32, #tpu.memory_space<hbm>>
      tpu.enqueue_indirect_dma source(%dma_start3A_285 : memref<1000000xf32, #tpu.memory_space<hbm>>) target(%dma_start3A_281 : memref<128xf32, #tpu.memory_space<vmem>>) offsets(%dma_start3A_283 : memref<128xi32, #tpu.memory_space<vmem>>) semaphore(%arg19 : memref<!tpu.dma_semaphore, #tpu.memory_space<semaphore_mem>>)
      %dma_start3A_286 = arith.constant 896 : i32
      %dma_start3A_287 = tpu.memref_slice %arg17[%dma_start3A_286] : memref<1024xf32, #tpu.memory_space<vmem>> -> memref<128xf32, #tpu.memory_space<vmem>>
      %dma_start3A_288 = arith.constant 896 : i32
      %dma_start3A_289 = tpu.memref_slice %arg15[%dma_start3A_288] : memref<1024xi32, #tpu.memory_space<vmem>> -> memref<128xi32, #tpu.memory_space<vmem>>
      %dma_start3A_290 = arith.constant 0 : i32
      %dma_start3A_291 = tpu.memref_slice %arg6[%dma_start3A_290] : memref<1000000xf32, #tpu.memory_space<hbm>> -> memref<1000000xf32, #tpu.memory_space<hbm>>
      tpu.enqueue_indirect_dma source(%dma_start3A_291 : memref<1000000xf32, #tpu.memory_space<hbm>>) target(%dma_start3A_287 : memref<128xf32, #tpu.memory_space<vmem>>) offsets(%dma_start3A_289 : memref<128xi32, #tpu.memory_space<vmem>>) semaphore(%arg19 : memref<!tpu.dma_semaphore, #tpu.memory_space<semaphore_mem>>)
      %dma_start3A_292 = arith.constant 896 : i32
      %dma_start3A_293 = tpu.memref_slice %arg18[%dma_start3A_292] : memref<1024xf32, #tpu.memory_space<vmem>> -> memref<128xf32, #tpu.memory_space<vmem>>
      %dma_start3A_294 = arith.constant 896 : i32
      %dma_start3A_295 = tpu.memref_slice %arg15[%dma_start3A_294] : memref<1024xi32, #tpu.memory_space<vmem>> -> memref<128xi32, #tpu.memory_space<vmem>>
      %dma_start3A_296 = arith.constant 0 : i32
      %dma_start3A_297 = tpu.memref_slice %arg7[%dma_start3A_296] : memref<1000000xf32, #tpu.memory_space<hbm>> -> memref<1000000xf32, #tpu.memory_space<hbm>>
      tpu.enqueue_indirect_dma source(%dma_start3A_297 : memref<1000000xf32, #tpu.memory_space<hbm>>) target(%dma_start3A_293 : memref<128xf32, #tpu.memory_space<vmem>>) offsets(%dma_start3A_295 : memref<128xi32, #tpu.memory_space<vmem>>) semaphore(%arg19 : memref<!tpu.dma_semaphore, #tpu.memory_space<semaphore_mem>>)
      %dma_wait3A_298 = arith.constant 0 : i32
      %dma_wait3A_299 = tpu.memref_slice %arg16[%dma_wait3A_298] : memref<1024xf32, #tpu.memory_space<vmem>> -> memref<128xf32, #tpu.memory_space<vmem>>
      %dma_wait3A_300 = arith.constant 0 : i32
      %dma_wait3A_301 = tpu.memref_slice %arg15[%dma_wait3A_300] : memref<1024xi32, #tpu.memory_space<vmem>> -> memref<128xi32, #tpu.memory_space<vmem>>
      %dma_wait3A_302 = arith.constant 0 : i32
      %dma_wait3A_303 = tpu.memref_slice %arg5[%dma_wait3A_302] : memref<1000000xf32, #tpu.memory_space<hbm>> -> memref<1000000xf32, #tpu.memory_space<hbm>>
      tpu.wait_indirect_dma semaphore(%arg19 : memref<!tpu.dma_semaphore, #tpu.memory_space<semaphore_mem>>) src(%dma_wait3A_303 : memref<1000000xf32, #tpu.memory_space<hbm>>) dst(%dma_wait3A_299 : memref<128xf32, #tpu.memory_space<vmem>>)
      %dma_wait3A_304 = arith.constant 0 : i32
      %dma_wait3A_305 = tpu.memref_slice %arg17[%dma_wait3A_304] : memref<1024xf32, #tpu.memory_space<vmem>> -> memref<128xf32, #tpu.memory_space<vmem>>
      %dma_wait3A_306 = arith.constant 0 : i32
      %dma_wait3A_307 = tpu.memref_slice %arg15[%dma_wait3A_306] : memref<1024xi32, #tpu.memory_space<vmem>> -> memref<128xi32, #tpu.memory_space<vmem>>
      %dma_wait3A_308 = arith.constant 0 : i32
      %dma_wait3A_309 = tpu.memref_slice %arg6[%dma_wait3A_308] : memref<1000000xf32, #tpu.memory_space<hbm>> -> memref<1000000xf32, #tpu.memory_space<hbm>>
      tpu.wait_indirect_dma semaphore(%arg19 : memref<!tpu.dma_semaphore, #tpu.memory_space<semaphore_mem>>) src(%dma_wait3A_309 : memref<1000000xf32, #tpu.memory_space<hbm>>) dst(%dma_wait3A_305 : memref<128xf32, #tpu.memory_space<vmem>>)
      %dma_wait3A_310 = arith.constant 0 : i32
      %dma_wait3A_311 = tpu.memref_slice %arg18[%dma_wait3A_310] : memref<1024xf32, #tpu.memory_space<vmem>> -> memref<128xf32, #tpu.memory_space<vmem>>
      %dma_wait3A_312 = arith.constant 0 : i32
      %dma_wait3A_313 = tpu.memref_slice %arg15[%dma_wait3A_312] : memref<1024xi32, #tpu.memory_space<vmem>> -> memref<128xi32, #tpu.memory_space<vmem>>
      %dma_wait3A_314 = arith.constant 0 : i32
      %dma_wait3A_315 = tpu.memref_slice %arg7[%dma_wait3A_314] : memref<1000000xf32, #tpu.memory_space<hbm>> -> memref<1000000xf32, #tpu.memory_space<hbm>>
      tpu.wait_indirect_dma semaphore(%arg19 : memref<!tpu.dma_semaphore, #tpu.memory_space<semaphore_mem>>) src(%dma_wait3A_315 : memref<1000000xf32, #tpu.memory_space<hbm>>) dst(%dma_wait3A_311 : memref<128xf32, #tpu.memory_space<vmem>>)
      %dma_wait3A_316 = arith.constant 128 : i32
      %dma_wait3A_317 = tpu.memref_slice %arg16[%dma_wait3A_316] : memref<1024xf32, #tpu.memory_space<vmem>> -> memref<128xf32, #tpu.memory_space<vmem>>
      %dma_wait3A_318 = arith.constant 128 : i32
      %dma_wait3A_319 = tpu.memref_slice %arg15[%dma_wait3A_318] : memref<1024xi32, #tpu.memory_space<vmem>> -> memref<128xi32, #tpu.memory_space<vmem>>
      %dma_wait3A_320 = arith.constant 0 : i32
      %dma_wait3A_321 = tpu.memref_slice %arg5[%dma_wait3A_320] : memref<1000000xf32, #tpu.memory_space<hbm>> -> memref<1000000xf32, #tpu.memory_space<hbm>>
      tpu.wait_indirect_dma semaphore(%arg19 : memref<!tpu.dma_semaphore, #tpu.memory_space<semaphore_mem>>) src(%dma_wait3A_321 : memref<1000000xf32, #tpu.memory_space<hbm>>) dst(%dma_wait3A_317 : memref<128xf32, #tpu.memory_space<vmem>>)
      %dma_wait3A_322 = arith.constant 128 : i32
      %dma_wait3A_323 = tpu.memref_slice %arg17[%dma_wait3A_322] : memref<1024xf32, #tpu.memory_space<vmem>> -> memref<128xf32, #tpu.memory_space<vmem>>
      %dma_wait3A_324 = arith.constant 128 : i32
      %dma_wait3A_325 = tpu.memref_slice %arg15[%dma_wait3A_324] : memref<1024xi32, #tpu.memory_space<vmem>> -> memref<128xi32, #tpu.memory_space<vmem>>
      %dma_wait3A_326 = arith.constant 0 : i32
      %dma_wait3A_327 = tpu.memref_slice %arg6[%dma_wait3A_326] : memref<1000000xf32, #tpu.memory_space<hbm>> -> memref<1000000xf32, #tpu.memory_space<hbm>>
      tpu.wait_indirect_dma semaphore(%arg19 : memref<!tpu.dma_semaphore, #tpu.memory_space<semaphore_mem>>) src(%dma_wait3A_327 : memref<1000000xf32, #tpu.memory_space<hbm>>) dst(%dma_wait3A_323 : memref<128xf32, #tpu.memory_space<vmem>>)
      %dma_wait3A_328 = arith.constant 128 : i32
      %dma_wait3A_329 = tpu.memref_slice %arg18[%dma_wait3A_328] : memref<1024xf32, #tpu.memory_space<vmem>> -> memref<128xf32, #tpu.memory_space<vmem>>
      %dma_wait3A_330 = arith.constant 128 : i32
      %dma_wait3A_331 = tpu.memref_slice %arg15[%dma_wait3A_330] : memref<1024xi32, #tpu.memory_space<vmem>> -> memref<128xi32, #tpu.memory_space<vmem>>
      %dma_wait3A_332 = arith.constant 0 : i32
      %dma_wait3A_333 = tpu.memref_slice %arg7[%dma_wait3A_332] : memref<1000000xf32, #tpu.memory_space<hbm>> -> memref<1000000xf32, #tpu.memory_space<hbm>>
      tpu.wait_indirect_dma semaphore(%arg19 : memref<!tpu.dma_semaphore, #tpu.memory_space<semaphore_mem>>) src(%dma_wait3A_333 : memref<1000000xf32, #tpu.memory_space<hbm>>) dst(%dma_wait3A_329 : memref<128xf32, #tpu.memory_space<vmem>>)
      %dma_wait3A_334 = arith.constant 256 : i32
      %dma_wait3A_335 = tpu.memref_slice %arg16[%dma_wait3A_334] : memref<1024xf32, #tpu.memory_space<vmem>> -> memref<128xf32, #tpu.memory_space<vmem>>
      %dma_wait3A_336 = arith.constant 256 : i32
      %dma_wait3A_337 = tpu.memref_slice %arg15[%dma_wait3A_336] : memref<1024xi32, #tpu.memory_space<vmem>> -> memref<128xi32, #tpu.memory_space<vmem>>
      %dma_wait3A_338 = arith.constant 0 : i32
      %dma_wait3A_339 = tpu.memref_slice %arg5[%dma_wait3A_338] : memref<1000000xf32, #tpu.memory_space<hbm>> -> memref<1000000xf32, #tpu.memory_space<hbm>>
      tpu.wait_indirect_dma semaphore(%arg19 : memref<!tpu.dma_semaphore, #tpu.memory_space<semaphore_mem>>) src(%dma_wait3A_339 : memref<1000000xf32, #tpu.memory_space<hbm>>) dst(%dma_wait3A_335 : memref<128xf32, #tpu.memory_space<vmem>>)
      %dma_wait3A_340 = arith.constant 256 : i32
      %dma_wait3A_341 = tpu.memref_slice %arg17[%dma_wait3A_340] : memref<1024xf32, #tpu.memory_space<vmem>> -> memref<128xf32, #tpu.memory_space<vmem>>
      %dma_wait3A_342 = arith.constant 256 : i32
      %dma_wait3A_343 = tpu.memref_slice %arg15[%dma_wait3A_342] : memref<1024xi32, #tpu.memory_space<vmem>> -> memref<128xi32, #tpu.memory_space<vmem>>
      %dma_wait3A_344 = arith.constant 0 : i32
      %dma_wait3A_345 = tpu.memref_slice %arg6[%dma_wait3A_344] : memref<1000000xf32, #tpu.memory_space<hbm>> -> memref<1000000xf32, #tpu.memory_space<hbm>>
      tpu.wait_indirect_dma semaphore(%arg19 : memref<!tpu.dma_semaphore, #tpu.memory_space<semaphore_mem>>) src(%dma_wait3A_345 : memref<1000000xf32, #tpu.memory_space<hbm>>) dst(%dma_wait3A_341 : memref<128xf32, #tpu.memory_space<vmem>>)
      %dma_wait3A_346 = arith.constant 256 : i32
      %dma_wait3A_347 = tpu.memref_slice %arg18[%dma_wait3A_346] : memref<1024xf32, #tpu.memory_space<vmem>> -> memref<128xf32, #tpu.memory_space<vmem>>
      %dma_wait3A_348 = arith.constant 256 : i32
      %dma_wait3A_349 = tpu.memref_slice %arg15[%dma_wait3A_348] : memref<1024xi32, #tpu.memory_space<vmem>> -> memref<128xi32, #tpu.memory_space<vmem>>
      %dma_wait3A_350 = arith.constant 0 : i32
      %dma_wait3A_351 = tpu.memref_slice %arg7[%dma_wait3A_350] : memref<1000000xf32, #tpu.memory_space<hbm>> -> memref<1000000xf32, #tpu.memory_space<hbm>>
      tpu.wait_indirect_dma semaphore(%arg19 : memref<!tpu.dma_semaphore, #tpu.memory_space<semaphore_mem>>) src(%dma_wait3A_351 : memref<1000000xf32, #tpu.memory_space<hbm>>) dst(%dma_wait3A_347 : memref<128xf32, #tpu.memory_space<vmem>>)
      %dma_wait3A_352 = arith.constant 384 : i32
      %dma_wait3A_353 = tpu.memref_slice %arg16[%dma_wait3A_352] : memref<1024xf32, #tpu.memory_space<vmem>> -> memref<128xf32, #tpu.memory_space<vmem>>
      %dma_wait3A_354 = arith.constant 384 : i32
      %dma_wait3A_355 = tpu.memref_slice %arg15[%dma_wait3A_354] : memref<1024xi32, #tpu.memory_space<vmem>> -> memref<128xi32, #tpu.memory_space<vmem>>
      %dma_wait3A_356 = arith.constant 0 : i32
      %dma_wait3A_357 = tpu.memref_slice %arg5[%dma_wait3A_356] : memref<1000000xf32, #tpu.memory_space<hbm>> -> memref<1000000xf32, #tpu.memory_space<hbm>>
      tpu.wait_indirect_dma semaphore(%arg19 : memref<!tpu.dma_semaphore, #tpu.memory_space<semaphore_mem>>) src(%dma_wait3A_357 : memref<1000000xf32, #tpu.memory_space<hbm>>) dst(%dma_wait3A_353 : memref<128xf32, #tpu.memory_space<vmem>>)
      %dma_wait3A_358 = arith.constant 384 : i32
      %dma_wait3A_359 = tpu.memref_slice %arg17[%dma_wait3A_358] : memref<1024xf32, #tpu.memory_space<vmem>> -> memref<128xf32, #tpu.memory_space<vmem>>
      %dma_wait3A_360 = arith.constant 384 : i32
      %dma_wait3A_361 = tpu.memref_slice %arg15[%dma_wait3A_360] : memref<1024xi32, #tpu.memory_space<vmem>> -> memref<128xi32, #tpu.memory_space<vmem>>
      %dma_wait3A_362 = arith.constant 0 : i32
      %dma_wait3A_363 = tpu.memref_slice %arg6[%dma_wait3A_362] : memref<1000000xf32, #tpu.memory_space<hbm>> -> memref<1000000xf32, #tpu.memory_space<hbm>>
      tpu.wait_indirect_dma semaphore(%arg19 : memref<!tpu.dma_semaphore, #tpu.memory_space<semaphore_mem>>) src(%dma_wait3A_363 : memref<1000000xf32, #tpu.memory_space<hbm>>) dst(%dma_wait3A_359 : memref<128xf32, #tpu.memory_space<vmem>>)
      %dma_wait3A_364 = arith.constant 384 : i32
      %dma_wait3A_365 = tpu.memref_slice %arg18[%dma_wait3A_364] : memref<1024xf32, #tpu.memory_space<vmem>> -> memref<128xf32, #tpu.memory_space<vmem>>
      %dma_wait3A_366 = arith.constant 384 : i32
      %dma_wait3A_367 = tpu.memref_slice %arg15[%dma_wait3A_366] : memref<1024xi32, #tpu.memory_space<vmem>> -> memref<128xi32, #tpu.memory_space<vmem>>
      %dma_wait3A_368 = arith.constant 0 : i32
      %dma_wait3A_369 = tpu.memref_slice %arg7[%dma_wait3A_368] : memref<1000000xf32, #tpu.memory_space<hbm>> -> memref<1000000xf32, #tpu.memory_space<hbm>>
      tpu.wait_indirect_dma semaphore(%arg19 : memref<!tpu.dma_semaphore, #tpu.memory_space<semaphore_mem>>) src(%dma_wait3A_369 : memref<1000000xf32, #tpu.memory_space<hbm>>) dst(%dma_wait3A_365 : memref<128xf32, #tpu.memory_space<vmem>>)
      %dma_wait3A_370 = arith.constant 512 : i32
      %dma_wait3A_371 = tpu.memref_slice %arg16[%dma_wait3A_370] : memref<1024xf32, #tpu.memory_space<vmem>> -> memref<128xf32, #tpu.memory_space<vmem>>
      %dma_wait3A_372 = arith.constant 512 : i32
      %dma_wait3A_373 = tpu.memref_slice %arg15[%dma_wait3A_372] : memref<1024xi32, #tpu.memory_space<vmem>> -> memref<128xi32, #tpu.memory_space<vmem>>
      %dma_wait3A_374 = arith.constant 0 : i32
      %dma_wait3A_375 = tpu.memref_slice %arg5[%dma_wait3A_374] : memref<1000000xf32, #tpu.memory_space<hbm>> -> memref<1000000xf32, #tpu.memory_space<hbm>>
      tpu.wait_indirect_dma semaphore(%arg19 : memref<!tpu.dma_semaphore, #tpu.memory_space<semaphore_mem>>) src(%dma_wait3A_375 : memref<1000000xf32, #tpu.memory_space<hbm>>) dst(%dma_wait3A_371 : memref<128xf32, #tpu.memory_space<vmem>>)
      %dma_wait3A_376 = arith.constant 512 : i32
      %dma_wait3A_377 = tpu.memref_slice %arg17[%dma_wait3A_376] : memref<1024xf32, #tpu.memory_space<vmem>> -> memref<128xf32, #tpu.memory_space<vmem>>
      %dma_wait3A_378 = arith.constant 512 : i32
      %dma_wait3A_379 = tpu.memref_slice %arg15[%dma_wait3A_378] : memref<1024xi32, #tpu.memory_space<vmem>> -> memref<128xi32, #tpu.memory_space<vmem>>
      %dma_wait3A_380 = arith.constant 0 : i32
      %dma_wait3A_381 = tpu.memref_slice %arg6[%dma_wait3A_380] : memref<1000000xf32, #tpu.memory_space<hbm>> -> memref<1000000xf32, #tpu.memory_space<hbm>>
      tpu.wait_indirect_dma semaphore(%arg19 : memref<!tpu.dma_semaphore, #tpu.memory_space<semaphore_mem>>) src(%dma_wait3A_381 : memref<1000000xf32, #tpu.memory_space<hbm>>) dst(%dma_wait3A_377 : memref<128xf32, #tpu.memory_space<vmem>>)
      %dma_wait3A_382 = arith.constant 512 : i32
      %dma_wait3A_383 = tpu.memref_slice %arg18[%dma_wait3A_382] : memref<1024xf32, #tpu.memory_space<vmem>> -> memref<128xf32, #tpu.memory_space<vmem>>
      %dma_wait3A_384 = arith.constant 512 : i32
      %dma_wait3A_385 = tpu.memref_slice %arg15[%dma_wait3A_384] : memref<1024xi32, #tpu.memory_space<vmem>> -> memref<128xi32, #tpu.memory_space<vmem>>
      %dma_wait3A_386 = arith.constant 0 : i32
      %dma_wait3A_387 = tpu.memref_slice %arg7[%dma_wait3A_386] : memref<1000000xf32, #tpu.memory_space<hbm>> -> memref<1000000xf32, #tpu.memory_space<hbm>>
      tpu.wait_indirect_dma semaphore(%arg19 : memref<!tpu.dma_semaphore, #tpu.memory_space<semaphore_mem>>) src(%dma_wait3A_387 : memref<1000000xf32, #tpu.memory_space<hbm>>) dst(%dma_wait3A_383 : memref<128xf32, #tpu.memory_space<vmem>>)
      %dma_wait3A_388 = arith.constant 640 : i32
      %dma_wait3A_389 = tpu.memref_slice %arg16[%dma_wait3A_388] : memref<1024xf32, #tpu.memory_space<vmem>> -> memref<128xf32, #tpu.memory_space<vmem>>
      %dma_wait3A_390 = arith.constant 640 : i32
      %dma_wait3A_391 = tpu.memref_slice %arg15[%dma_wait3A_390] : memref<1024xi32, #tpu.memory_space<vmem>> -> memref<128xi32, #tpu.memory_space<vmem>>
      %dma_wait3A_392 = arith.constant 0 : i32
      %dma_wait3A_393 = tpu.memref_slice %arg5[%dma_wait3A_392] : memref<1000000xf32, #tpu.memory_space<hbm>> -> memref<1000000xf32, #tpu.memory_space<hbm>>
      tpu.wait_indirect_dma semaphore(%arg19 : memref<!tpu.dma_semaphore, #tpu.memory_space<semaphore_mem>>) src(%dma_wait3A_393 : memref<1000000xf32, #tpu.memory_space<hbm>>) dst(%dma_wait3A_389 : memref<128xf32, #tpu.memory_space<vmem>>)
      %dma_wait3A_394 = arith.constant 640 : i32
      %dma_wait3A_395 = tpu.memref_slice %arg17[%dma_wait3A_394] : memref<1024xf32, #tpu.memory_space<vmem>> -> memref<128xf32, #tpu.memory_space<vmem>>
      %dma_wait3A_396 = arith.constant 640 : i32
      %dma_wait3A_397 = tpu.memref_slice %arg15[%dma_wait3A_396] : memref<1024xi32, #tpu.memory_space<vmem>> -> memref<128xi32, #tpu.memory_space<vmem>>
      %dma_wait3A_398 = arith.constant 0 : i32
      %dma_wait3A_399 = tpu.memref_slice %arg6[%dma_wait3A_398] : memref<1000000xf32, #tpu.memory_space<hbm>> -> memref<1000000xf32, #tpu.memory_space<hbm>>
      tpu.wait_indirect_dma semaphore(%arg19 : memref<!tpu.dma_semaphore, #tpu.memory_space<semaphore_mem>>) src(%dma_wait3A_399 : memref<1000000xf32, #tpu.memory_space<hbm>>) dst(%dma_wait3A_395 : memref<128xf32, #tpu.memory_space<vmem>>)
      %dma_wait3A_400 = arith.constant 640 : i32
      %dma_wait3A_401 = tpu.memref_slice %arg18[%dma_wait3A_400] : memref<1024xf32, #tpu.memory_space<vmem>> -> memref<128xf32, #tpu.memory_space<vmem>>
      %dma_wait3A_402 = arith.constant 640 : i32
      %dma_wait3A_403 = tpu.memref_slice %arg15[%dma_wait3A_402] : memref<1024xi32, #tpu.memory_space<vmem>> -> memref<128xi32, #tpu.memory_space<vmem>>
      %dma_wait3A_404 = arith.constant 0 : i32
      %dma_wait3A_405 = tpu.memref_slice %arg7[%dma_wait3A_404] : memref<1000000xf32, #tpu.memory_space<hbm>> -> memref<1000000xf32, #tpu.memory_space<hbm>>
      tpu.wait_indirect_dma semaphore(%arg19 : memref<!tpu.dma_semaphore, #tpu.memory_space<semaphore_mem>>) src(%dma_wait3A_405 : memref<1000000xf32, #tpu.memory_space<hbm>>) dst(%dma_wait3A_401 : memref<128xf32, #tpu.memory_space<vmem>>)
      %dma_wait3A_406 = arith.constant 768 : i32
      %dma_wait3A_407 = tpu.memref_slice %arg16[%dma_wait3A_406] : memref<1024xf32, #tpu.memory_space<vmem>> -> memref<128xf32, #tpu.memory_space<vmem>>
      %dma_wait3A_408 = arith.constant 768 : i32
      %dma_wait3A_409 = tpu.memref_slice %arg15[%dma_wait3A_408] : memref<1024xi32, #tpu.memory_space<vmem>> -> memref<128xi32, #tpu.memory_space<vmem>>
      %dma_wait3A_410 = arith.constant 0 : i32
      %dma_wait3A_411 = tpu.memref_slice %arg5[%dma_wait3A_410] : memref<1000000xf32, #tpu.memory_space<hbm>> -> memref<1000000xf32, #tpu.memory_space<hbm>>
      tpu.wait_indirect_dma semaphore(%arg19 : memref<!tpu.dma_semaphore, #tpu.memory_space<semaphore_mem>>) src(%dma_wait3A_411 : memref<1000000xf32, #tpu.memory_space<hbm>>) dst(%dma_wait3A_407 : memref<128xf32, #tpu.memory_space<vmem>>)
      %dma_wait3A_412 = arith.constant 768 : i32
      %dma_wait3A_413 = tpu.memref_slice %arg17[%dma_wait3A_412] : memref<1024xf32, #tpu.memory_space<vmem>> -> memref<128xf32, #tpu.memory_space<vmem>>
      %dma_wait3A_414 = arith.constant 768 : i32
      %dma_wait3A_415 = tpu.memref_slice %arg15[%dma_wait3A_414] : memref<1024xi32, #tpu.memory_space<vmem>> -> memref<128xi32, #tpu.memory_space<vmem>>
      %dma_wait3A_416 = arith.constant 0 : i32
      %dma_wait3A_417 = tpu.memref_slice %arg6[%dma_wait3A_416] : memref<1000000xf32, #tpu.memory_space<hbm>> -> memref<1000000xf32, #tpu.memory_space<hbm>>
      tpu.wait_indirect_dma semaphore(%arg19 : memref<!tpu.dma_semaphore, #tpu.memory_space<semaphore_mem>>) src(%dma_wait3A_417 : memref<1000000xf32, #tpu.memory_space<hbm>>) dst(%dma_wait3A_413 : memref<128xf32, #tpu.memory_space<vmem>>)
      %dma_wait3A_418 = arith.constant 768 : i32
      %dma_wait3A_419 = tpu.memref_slice %arg18[%dma_wait3A_418] : memref<1024xf32, #tpu.memory_space<vmem>> -> memref<128xf32, #tpu.memory_space<vmem>>
      %dma_wait3A_420 = arith.constant 768 : i32
      %dma_wait3A_421 = tpu.memref_slice %arg15[%dma_wait3A_420] : memref<1024xi32, #tpu.memory_space<vmem>> -> memref<128xi32, #tpu.memory_space<vmem>>
      %dma_wait3A_422 = arith.constant 0 : i32
      %dma_wait3A_423 = tpu.memref_slice %arg7[%dma_wait3A_422] : memref<1000000xf32, #tpu.memory_space<hbm>> -> memref<1000000xf32, #tpu.memory_space<hbm>>
      tpu.wait_indirect_dma semaphore(%arg19 : memref<!tpu.dma_semaphore, #tpu.memory_space<semaphore_mem>>) src(%dma_wait3A_423 : memref<1000000xf32, #tpu.memory_space<hbm>>) dst(%dma_wait3A_419 : memref<128xf32, #tpu.memory_space<vmem>>)
      %dma_wait3A_424 = arith.constant 896 : i32
      %dma_wait3A_425 = tpu.memref_slice %arg16[%dma_wait3A_424] : memref<1024xf32, #tpu.memory_space<vmem>> -> memref<128xf32, #tpu.memory_space<vmem>>
      %dma_wait3A_426 = arith.constant 896 : i32
      %dma_wait3A_427 = tpu.memref_slice %arg15[%dma_wait3A_426] : memref<1024xi32, #tpu.memory_space<vmem>> -> memref<128xi32, #tpu.memory_space<vmem>>
      %dma_wait3A_428 = arith.constant 0 : i32
      %dma_wait3A_429 = tpu.memref_slice %arg5[%dma_wait3A_428] : memref<1000000xf32, #tpu.memory_space<hbm>> -> memref<1000000xf32, #tpu.memory_space<hbm>>
      tpu.wait_indirect_dma semaphore(%arg19 : memref<!tpu.dma_semaphore, #tpu.memory_space<semaphore_mem>>) src(%dma_wait3A_429 : memref<1000000xf32, #tpu.memory_space<hbm>>) dst(%dma_wait3A_425 : memref<128xf32, #tpu.memory_space<vmem>>)
      %dma_wait3A_430 = arith.constant 896 : i32
      %dma_wait3A_431 = tpu.memref_slice %arg17[%dma_wait3A_430] : memref<1024xf32, #tpu.memory_space<vmem>> -> memref<128xf32, #tpu.memory_space<vmem>>
      %dma_wait3A_432 = arith.constant 896 : i32
      %dma_wait3A_433 = tpu.memref_slice %arg15[%dma_wait3A_432] : memref<1024xi32, #tpu.memory_space<vmem>> -> memref<128xi32, #tpu.memory_space<vmem>>
      %dma_wait3A_434 = arith.constant 0 : i32
      %dma_wait3A_435 = tpu.memref_slice %arg6[%dma_wait3A_434] : memref<1000000xf32, #tpu.memory_space<hbm>> -> memref<1000000xf32, #tpu.memory_space<hbm>>
      tpu.wait_indirect_dma semaphore(%arg19 : memref<!tpu.dma_semaphore, #tpu.memory_space<semaphore_mem>>) src(%dma_wait3A_435 : memref<1000000xf32, #tpu.memory_space<hbm>>) dst(%dma_wait3A_431 : memref<128xf32, #tpu.memory_space<vmem>>)
      %dma_wait3A_436 = arith.constant 896 : i32
      %dma_wait3A_437 = tpu.memref_slice %arg18[%dma_wait3A_436] : memref<1024xf32, #tpu.memory_space<vmem>> -> memref<128xf32, #tpu.memory_space<vmem>>
      %dma_wait3A_438 = arith.constant 896 : i32
      %dma_wait3A_439 = tpu.memref_slice %arg15[%dma_wait3A_438] : memref<1024xi32, #tpu.memory_space<vmem>> -> memref<128xi32, #tpu.memory_space<vmem>>
      %dma_wait3A_440 = arith.constant 0 : i32
      %dma_wait3A_441 = tpu.memref_slice %arg7[%dma_wait3A_440] : memref<1000000xf32, #tpu.memory_space<hbm>> -> memref<1000000xf32, #tpu.memory_space<hbm>>
      tpu.wait_indirect_dma semaphore(%arg19 : memref<!tpu.dma_semaphore, #tpu.memory_space<semaphore_mem>>) src(%dma_wait3A_441 : memref<1000000xf32, #tpu.memory_space<hbm>>) dst(%dma_wait3A_437 : memref<128xf32, #tpu.memory_space<vmem>>)
      "tpu.region"() ({
        %run_scoped3A = tpu.sem_alloc : memref<!tpu.dma_semaphore, #tpu.memory_space<semaphore_mem>>
        %dma_start3A_443 = tpu.memref_slice %arg8[%add3A_13] : memref<1015808xf32, #tpu.memory_space<hbm>> -> memref<1024xf32, #tpu.memory_space<hbm>>
        %dma_start3A_444 = tpu.memref_slice %arg8[%add3A_13] : memref<1015808xf32, #tpu.memory_space<hbm>> -> memref<1024xf32, #tpu.memory_space<hbm>>
        tpu.enqueue_dma source(%arg16 : memref<1024xf32, #tpu.memory_space<vmem>>) target(%dma_start3A_444 : memref<1024xf32, #tpu.memory_space<hbm>>) target_semaphore(%run_scoped3A : memref<!tpu.dma_semaphore, #tpu.memory_space<semaphore_mem>>)
        %dma_wait3A_445 = tpu.memref_slice %arg8[%add3A_13] : memref<1015808xf32, #tpu.memory_space<hbm>> -> memref<1024xf32, #tpu.memory_space<hbm>>
        %dma_wait3A_446 = tpu.memref_slice %arg8[%add3A_13] : memref<1015808xf32, #tpu.memory_space<hbm>> -> memref<1024xf32, #tpu.memory_space<hbm>>
        tpu.wait_dma2 semaphore(%run_scoped3A : memref<!tpu.dma_semaphore, #tpu.memory_space<semaphore_mem>>) src(%arg16 : memref<1024xf32, #tpu.memory_space<vmem>>) dst(%dma_wait3A_446 : memref<1024xf32, #tpu.memory_space<hbm>>)
        tpu.yield
      }) : () -> ()
      "tpu.region"() ({
        %run_scoped3A = tpu.sem_alloc : memref<!tpu.dma_semaphore, #tpu.memory_space<semaphore_mem>>
        %dma_start3A_443 = tpu.memref_slice %arg9[%add3A_13] : memref<1015808xf32, #tpu.memory_space<hbm>> -> memref<1024xf32, #tpu.memory_space<hbm>>
        %dma_start3A_444 = tpu.memref_slice %arg9[%add3A_13] : memref<1015808xf32, #tpu.memory_space<hbm>> -> memref<1024xf32, #tpu.memory_space<hbm>>
        tpu.enqueue_dma source(%arg17 : memref<1024xf32, #tpu.memory_space<vmem>>) target(%dma_start3A_444 : memref<1024xf32, #tpu.memory_space<hbm>>) target_semaphore(%run_scoped3A : memref<!tpu.dma_semaphore, #tpu.memory_space<semaphore_mem>>)
        %dma_wait3A_445 = tpu.memref_slice %arg9[%add3A_13] : memref<1015808xf32, #tpu.memory_space<hbm>> -> memref<1024xf32, #tpu.memory_space<hbm>>
        %dma_wait3A_446 = tpu.memref_slice %arg9[%add3A_13] : memref<1015808xf32, #tpu.memory_space<hbm>> -> memref<1024xf32, #tpu.memory_space<hbm>>
        tpu.wait_dma2 semaphore(%run_scoped3A : memref<!tpu.dma_semaphore, #tpu.memory_space<semaphore_mem>>) src(%arg17 : memref<1024xf32, #tpu.memory_space<vmem>>) dst(%dma_wait3A_446 : memref<1024xf32, #tpu.memory_space<hbm>>)
        tpu.yield
      }) : () -> ()
      "tpu.region"() ({
        %run_scoped3A = tpu.sem_alloc : memref<!tpu.dma_semaphore, #tpu.memory_space<semaphore_mem>>
        %dma_start3A_443 = tpu.memref_slice %arg10[%add3A_13] : memref<1015808xf32, #tpu.memory_space<hbm>> -> memref<1024xf32, #tpu.memory_space<hbm>>
        %dma_start3A_444 = tpu.memref_slice %arg10[%add3A_13] : memref<1015808xf32, #tpu.memory_space<hbm>> -> memref<1024xf32, #tpu.memory_space<hbm>>
        tpu.enqueue_dma source(%arg18 : memref<1024xf32, #tpu.memory_space<vmem>>) target(%dma_start3A_444 : memref<1024xf32, #tpu.memory_space<hbm>>) target_semaphore(%run_scoped3A : memref<!tpu.dma_semaphore, #tpu.memory_space<semaphore_mem>>)
        %dma_wait3A_445 = tpu.memref_slice %arg10[%add3A_13] : memref<1015808xf32, #tpu.memory_space<hbm>> -> memref<1024xf32, #tpu.memory_space<hbm>>
        %dma_wait3A_446 = tpu.memref_slice %arg10[%add3A_13] : memref<1015808xf32, #tpu.memory_space<hbm>> -> memref<1024xf32, #tpu.memory_space<hbm>>
        tpu.wait_dma2 semaphore(%run_scoped3A : memref<!tpu.dma_semaphore, #tpu.memory_space<semaphore_mem>>) src(%arg18 : memref<1024xf32, #tpu.memory_space<vmem>>) dst(%dma_wait3A_446 : memref<1024xf32, #tpu.memory_space<hbm>>)
        tpu.yield
      }) : () -> ()
      %scan3A_442 = arith.constant 0 : i32
      scf.yield %scan3A_442 : i32
    }
    %scan3A_6 = arith.constant 31 : i32
    return
  }
}

module attributes {stable_mosaic.version = 14 : i64} {
  func.func @_cdf_kernel(%arg0: memref<7936x128xf32, #tpu.memory_space<vmem>>, %arg1: memref<7936x128xf32, #tpu.memory_space<vmem>>, %arg2: memref<7936x128xf32, #tpu.memory_space<vmem>>, %arg3: memref<7936x128xf32, #tpu.memory_space<vmem>>, %arg4: memref<128x7936xf32, #tpu.memory_space<vmem>>, %arg5: memref<128x7936xf32, #tpu.memory_space<vmem>>, %arg6: memref<128x62xf32, #tpu.memory_space<vmem>>, %arg7: memref<128x62xf32, #tpu.memory_space<vmem>>) attributes {dimension_semantics = [], scalar_prefetch = 0 : i64, scratch_operands = 5 : i64, tpu.core_type = #tpu.core_type<tc>} {
    %get3A = arith.constant 0 : index
    %get3A_0 = arith.constant 0 : index
    %get3A_1 = vector.load %arg0[%get3A, %get3A_0] : memref<7936x128xf32, #tpu.memory_space<vmem>>, vector<7936x128xf32>
    %log3A = math.log %get3A_1 : vector<7936x128xf32>
    %get3A_2 = arith.constant 0 : index
    %get3A_3 = arith.constant 0 : index
    %get3A_4 = vector.load %arg1[%get3A_2, %get3A_3] : memref<7936x128xf32, #tpu.memory_space<vmem>>, vector<7936x128xf32>
    %add3A = arith.addf %log3A, %get3A_4 : vector<7936x128xf32>
    %swap3A = arith.constant 0 : index
    %swap3A_5 = arith.constant 0 : index
    %swap3A_6 = vector.load %arg3[%swap3A, %swap3A_5] : memref<7936x128xf32, #tpu.memory_space<vmem>>, vector<7936x128xf32>
    tpu.vector_store %arg3[%swap3A, %swap3A_5], %add3A {strides = array<i32>} : memref<7936x128xf32, #tpu.memory_space<vmem>>, vector<7936x128xf32>,
    %reduce_max3A = vector.shape_cast %add3A : vector<7936x128xf32> to vector<1x7936x128xf32>
    %reduce_max3A_7 = arith.constant dense<0xFF800000> : vector<1xf32>
    %reduce_max3A_8 = vector.multi_reduction <maximumf>, %reduce_max3A, %reduce_max3A_7 [1, 2] : vector<1x7936x128xf32> to vector<1xf32>
    %reduce_max3A_9 = vector.shape_cast %reduce_max3A_8 : vector<1xf32> to vector<1x1x1xf32>
    %reduce_max3A_10 = vector.extract %reduce_max3A_9[0, 0, 0] : f32 from vector<1x1x1xf32>
    %broadcast_in_dim3A = arith.constant 0.000000e+00 : f32
    %broadcast_in_dim3A_11 = vector.broadcast %broadcast_in_dim3A : f32 to vector<8x128xf32>
    %scan3A = arith.constant 0 : i32
    %scan3A_12 = arith.constant 992 : i32
    %scan3A_13 = arith.addi %scan3A, %scan3A_12 : i32
    %scan3A_14 = arith.constant 1 : i32
    %scan3A_15 = scf.for %scan3A_87 = %scan3A to %scan3A_13 step %scan3A_14 iter_args(%scan3A_88 = %broadcast_in_dim3A_11) -> (vector<8x128xf32>)  : i32 {
      %mul3A = arith.constant 8 : i32
      %mul3A_89 = arith.muli %mul3A, %scan3A_87 : i32
      %get3A_90 = arith.index_cast %mul3A_89 : i32 to index
      %get3A_91 = arith.constant 0 : index
      %get3A_92 = vector.load %arg3[%get3A_90, %get3A_91] : memref<7936x128xf32, #tpu.memory_space<vmem>>, vector<8x128xf32>
      %sub3A_93 = vector.broadcast %reduce_max3A_10 : f32 to vector<8x128xf32>
      %sub3A_94 = arith.subf %get3A_92, %sub3A_93 : vector<8x128xf32>
      %exp3A_95 = math.exp %sub3A_94 : vector<8x128xf32>
      %add3A_96 = arith.addf %scan3A_88, %exp3A_95 : vector<8x128xf32>
      scf.yield %add3A_96 : vector<8x128xf32>
    }
    %scan3A_16 = arith.constant 992 : i32
    %slice3A = vector.extract_strided_slice %scan3A_15 {offsets = [0, 0], sizes = [4, 128], strides = [1, 1]} : vector<8x128xf32> to vector<4x128xf32>
    %slice3A_17 = vector.extract_strided_slice %scan3A_15 {offsets = [4, 0], sizes = [4, 128], strides = [1, 1]} : vector<8x128xf32> to vector<4x128xf32>
    %add3A_18 = arith.addf %slice3A, %slice3A_17 : vector<4x128xf32>
    %slice3A_19 = vector.extract_strided_slice %add3A_18 {offsets = [0, 0], sizes = [2, 128], strides = [1, 1]} : vector<4x128xf32> to vector<2x128xf32>
    %slice3A_20 = vector.extract_strided_slice %add3A_18 {offsets = [2, 0], sizes = [2, 128], strides = [1, 1]} : vector<4x128xf32> to vector<2x128xf32>
    %add3A_21 = arith.addf %slice3A_19, %slice3A_20 : vector<2x128xf32>
    %slice3A_22 = vector.extract_strided_slice %add3A_21 {offsets = [0, 0], sizes = [1, 128], strides = [1, 1]} : vector<2x128xf32> to vector<1x128xf32>
    %slice3A_23 = vector.extract_strided_slice %add3A_21 {offsets = [1, 0], sizes = [1, 128], strides = [1, 1]} : vector<2x128xf32> to vector<1x128xf32>
    %add3A_24 = arith.addf %slice3A_22, %slice3A_23 : vector<1x128xf32>
    %reduce_sum3A = vector.shape_cast %add3A_24 : vector<1x128xf32> to vector<1x1x128xf32>
    %reduce_sum3A_25 = arith.constant dense<0.000000e+00> : vector<1xf32>
    %reduce_sum3A_26 = vector.multi_reduction <add>, %reduce_sum3A, %reduce_sum3A_25 [1, 2] : vector<1x1x128xf32> to vector<1xf32>
    %reduce_sum3A_27 = vector.shape_cast %reduce_sum3A_26 : vector<1xf32> to vector<1x1x1xf32>
    %reduce_sum3A_28 = vector.extract %reduce_sum3A_27[0, 0, 0] : f32 from vector<1x1x1xf32>
    %log3A_29 = math.log %reduce_sum3A_28 : f32
    %add3A_30 = arith.addf %log3A_29, %reduce_max3A_10 : f32
    %get3A_31 = arith.constant 0 : index
    %get3A_32 = arith.constant 0 : index
    %get3A_33 = vector.load %arg3[%get3A_31, %get3A_32] : memref<7936x128xf32, #tpu.memory_space<vmem>>, vector<7936x128xf32>
    %sub3A = vector.broadcast %add3A_30 : f32 to vector<7936x128xf32>
    %sub3A_34 = arith.subf %get3A_33, %sub3A : vector<7936x128xf32>
    %exp3A = math.exp %sub3A_34 : vector<7936x128xf32>
    %transpose3A = tpu.transpose %exp3A, [1, 0] : vector<7936x128xf32> -> vector<128x7936xf32>
    %swap3A_35 = arith.constant 0 : index
    %swap3A_36 = arith.constant 0 : index
    %swap3A_37 = vector.load %arg4[%swap3A_35, %swap3A_36] : memref<128x7936xf32, #tpu.memory_space<vmem>>, vector<128x7936xf32>
    tpu.vector_store %arg4[%swap3A_35, %swap3A_36], %transpose3A {strides = array<i32>} : memref<128x7936xf32, #tpu.memory_space<vmem>>, vector<128x7936xf32>,
    %broadcast_in_dim3A_38 = arith.constant 0.000000e+00 : f32
    %broadcast_in_dim3A_39 = vector.broadcast %broadcast_in_dim3A_38 : f32 to vector<1x7936xf32>
    %scan3A_40 = arith.constant 0 : i32
    %scan3A_41 = arith.constant 128 : i32
    %scan3A_42 = arith.addi %scan3A_40, %scan3A_41 : i32
    %scan3A_43 = arith.constant 1 : i32
    %scan3A_44 = scf.for %scan3A_87 = %scan3A_40 to %scan3A_42 step %scan3A_43 iter_args(%scan3A_88 = %broadcast_in_dim3A_39) -> (vector<1x7936xf32>)  : i32 {
      %get3A_89 = arith.index_cast %scan3A_87 : i32 to index
      %get3A_90 = arith.constant 0 : index
      %get3A_91 = vector.load %arg4[%get3A_89, %get3A_90] : memref<128x7936xf32, #tpu.memory_space<vmem>>, vector<1x7936xf32>
      %add3A_92 = arith.addf %scan3A_88, %get3A_91 : vector<1x7936xf32>
      %swap3A_93 = arith.index_cast %scan3A_87 : i32 to index
      %swap3A_94 = arith.constant 0 : index
      %swap3A_95 = vector.load %arg5[%swap3A_93, %swap3A_94] : memref<128x7936xf32, #tpu.memory_space<vmem>>, vector<1x7936xf32>
      tpu.vector_store %arg5[%swap3A_93, %swap3A_94], %add3A_92 {strides = array<i32>} : memref<128x7936xf32, #tpu.memory_space<vmem>>, vector<1x7936xf32>,
      scf.yield %add3A_92 : vector<1x7936xf32>
    }
    %scan3A_45 = arith.constant 128 : i32
    %reshape3A = vector.shape_cast %scan3A_44 : vector<1x7936xf32> to vector<62x128xf32>
    %transpose3A_46 = tpu.transpose %reshape3A, [1, 0] : vector<62x128xf32> -> vector<128x62xf32>
    %swap3A_47 = arith.constant 0 : index
    %swap3A_48 = arith.constant 0 : index
    %swap3A_49 = vector.load %arg6[%swap3A_47, %swap3A_48] : memref<128x62xf32, #tpu.memory_space<vmem>>, vector<128x62xf32>
    tpu.vector_store %arg6[%swap3A_47, %swap3A_48], %transpose3A_46 {strides = array<i32>} : memref<128x62xf32, #tpu.memory_space<vmem>>, vector<128x62xf32>,
    %broadcast_in_dim3A_50 = arith.constant 0.000000e+00 : f32
    %broadcast_in_dim3A_51 = vector.broadcast %broadcast_in_dim3A_50 : f32 to vector<1x62xf32>
    %scan3A_52 = arith.constant 0 : i32
    %scan3A_53 = arith.constant 128 : i32
    %scan3A_54 = arith.addi %scan3A_52, %scan3A_53 : i32
    %scan3A_55 = arith.constant 1 : i32
    %scan3A_56 = scf.for %scan3A_87 = %scan3A_52 to %scan3A_54 step %scan3A_55 iter_args(%scan3A_88 = %broadcast_in_dim3A_51) -> (vector<1x62xf32>)  : i32 {
      %get3A_89 = arith.index_cast %scan3A_87 : i32 to index
      %get3A_90 = arith.constant 0 : index
      %get3A_91 = vector.load %arg6[%get3A_89, %get3A_90] : memref<128x62xf32, #tpu.memory_space<vmem>>, vector<1x62xf32>
      %add3A_92 = arith.addf %scan3A_88, %get3A_91 : vector<1x62xf32>
      %swap3A_93 = arith.index_cast %scan3A_87 : i32 to index
      %swap3A_94 = arith.constant 0 : index
      %swap3A_95 = vector.load %arg7[%swap3A_93, %swap3A_94] : memref<128x62xf32, #tpu.memory_space<vmem>>, vector<1x62xf32>
      tpu.vector_store %arg7[%swap3A_93, %swap3A_94], %add3A_92 {strides = array<i32>} : memref<128x62xf32, #tpu.memory_space<vmem>>, vector<1x62xf32>,
      scf.yield %add3A_92 : vector<1x62xf32>
    }
    %scan3A_57 = arith.constant 128 : i32
    %iota3A = tpu.iota {dimensions = array<i32: 1>} : vector<1x62xi32>
    %broadcast_in_dim3A_58 = arith.constant 0.000000e+00 : f32
    %broadcast_in_dim3A_59 = vector.broadcast %broadcast_in_dim3A_58 : f32 to vector<1x1xf32>
    %broadcast_in_dim3A_60 = arith.constant 0.000000e+00 : f32
    %broadcast_in_dim3A_61 = vector.broadcast %broadcast_in_dim3A_60 : f32 to vector<1x62xf32>
    %scan3A_62 = arith.constant 0 : i32
    %scan3A_63 = arith.constant 62 : i32
    %scan3A_64 = arith.addi %scan3A_62, %scan3A_63 : i32
    %scan3A_65 = arith.constant 1 : i32
    %scan3A_66:2 = scf.for %scan3A_87 = %scan3A_62 to %scan3A_64 step %scan3A_65 iter_args(%scan3A_88 = %broadcast_in_dim3A_59, %scan3A_89 = %broadcast_in_dim3A_61) -> (vector<1x1xf32>, vector<1x62xf32>)  : i32 {
      %eq3A = vector.broadcast %scan3A_87 : i32 to vector<1x62xi32>
      %eq3A_90 = arith.cmpi eq, %iota3A, %eq3A : vector<1x62xi32>
      %broadcast_in_dim3A_91 = vector.shape_cast %scan3A_88 : vector<1x1xf32> to vector<1x1xf32>
      %broadcast_in_dim3A_92 = vector.broadcast %broadcast_in_dim3A_91 : vector<1x1xf32> to vector<1x62xf32>
      %select_n3A = arith.select %eq3A_90, %broadcast_in_dim3A_92, %scan3A_89 : vector<1x62xi1>, vector<1x62xf32>
      %jit3A = arith.constant 0.000000e+00 : f32
      %broadcast_in_dim3A_93 = vector.broadcast %jit3A : f32 to vector<1x62xf32>
      %select_n3A_94 = arith.select %eq3A_90, %scan3A_56, %broadcast_in_dim3A_93 : vector<1x62xi1>, vector<1x62xf32>
      %reduce_sum3A_95 = vector.shape_cast %select_n3A_94 : vector<1x62xf32> to vector<1x1x62xf32>
      %reduce_sum3A_96 = arith.constant dense<0.000000e+00> : vector<1xf32>
      %reduce_sum3A_97 = vector.multi_reduction <add>, %reduce_sum3A_95, %reduce_sum3A_96 [1, 2] : vector<1x1x62xf32> to vector<1xf32>
      %reduce_sum3A_98 = vector.shape_cast %reduce_sum3A_97 : vector<1xf32> to vector<1x1x1xf32>
      %reduce_sum3A_99 = vector.extract %reduce_sum3A_98[0, 0, 0] : f32 from vector<1x1x1xf32>
      %add3A_100 = vector.broadcast %reduce_sum3A_99 : f32 to vector<1x1xf32>
      %add3A_101 = arith.addf %scan3A_88, %add3A_100 : vector<1x1xf32>
      scf.yield %add3A_101, %select_n3A : vector<1x1xf32>, vector<1x62xf32>
    }
    %scan3A_67 = arith.constant 62 : i32
    %get3A_68 = arith.constant 0 : index
    %get3A_69 = arith.constant 0 : index
    %get3A_70 = vector.load %arg7[%get3A_68, %get3A_69] : memref<128x62xf32, #tpu.memory_space<vmem>>, vector<128x62xf32>
    %add3A_71 = vector.broadcast %scan3A_66#1 : vector<1x62xf32> to vector<128x62xf32>
    %add3A_72 = arith.addf %get3A_70, %add3A_71 : vector<128x62xf32>
    %transpose3A_73 = tpu.transpose %add3A_72, [1, 0] : vector<128x62xf32> -> vector<62x128xf32>
    %reshape3A_74 = vector.shape_cast %transpose3A_73 : vector<62x128xf32> to vector<1x7936xf32>
    %broadcast_in_dim3A_75 = arith.constant 0.000000e+00 : f32
    %broadcast_in_dim3A_76 = vector.broadcast %broadcast_in_dim3A_75 : f32 to vector<1x1xf32>
    %slice3A_77 = vector.extract_strided_slice %reshape3A_74 {offsets = [0, 0], sizes = [1, 7935], strides = [1, 1]} : vector<1x7936xf32> to vector<1x7935xf32>
    %concatenate3A = tpu.concatenate %broadcast_in_dim3A_76, %slice3A_77 in 1 : vector<1x1xf32>, vector<1x7935xf32> -> vector<1x7936xf32>
    %get3A_78 = arith.constant 0 : index
    %get3A_79 = arith.constant 0 : index
    %get3A_80 = vector.load %arg5[%get3A_78, %get3A_79] : memref<128x7936xf32, #tpu.memory_space<vmem>>, vector<128x7936xf32>
    %add3A_81 = vector.broadcast %concatenate3A : vector<1x7936xf32> to vector<128x7936xf32>
    %add3A_82 = arith.addf %get3A_80, %add3A_81 : vector<128x7936xf32>
    %transpose3A_83 = tpu.transpose %add3A_82, [1, 0] : vector<128x7936xf32> -> vector<7936x128xf32>
    %swap3A_84 = arith.constant 0 : index
    %swap3A_85 = arith.constant 0 : index
    %swap3A_86 = vector.load %arg2[%swap3A_84, %swap3A_85] : memref<7936x128xf32, #tpu.memory_space<vmem>>, vector<7936x128xf32>
    tpu.vector_store %arg2[%swap3A_84, %swap3A_85], %transpose3A_83 {strides = array<i32>} : memref<7936x128xf32, #tpu.memory_space<vmem>>, vector<7936x128xf32>,
    return
  }
}

</mosaic_0001>

<sc_bundles>
// kernel: kernel.4.cloned.1.call-start
scs
__scs_entry_jumppad:
0x0: {  	(pc) =	sbr.rel $0x88, $3  }
0x1: {  	(tag) =	ssettag $0x0;
	lr =	simm.s32 $0x1  }
0x2: {  	[smem:$0x3F9D] =	sst lr;
	_ =	strace $0xD0000000  }
0x3: {  	_ = 	snop  }
0x4: {  	_ = 	snop  }
0x5: {  	_ = 	snop  }
0x6: {  	_ = 	snop  }
0x7: {  	_ = 	snop  }
__scs_overlays_trampoline_lowered:
0x8: {  	[smem:$0x3FAC] =	sst s0  }
0x9: {  	[smem:$0x3FAD] =	sst s1  }
0xa: {  	[smem:$0x3FAE] =	sst s2  }
0xb: {  	[smem:$0x3FAF] =	sst s3  }
0xc: {  	[smem:$0x3FB0] =	sst s4  }
0xd: {  	[smem:$0x3FB1] =	sst s5  }
0xe: {  	[smem:$0x3FB2] =	sst s6  }
0xf: {  	[smem:$0x3FB3] =	sst s7  }
0x10: {  	[smem:$0x3FB4] =	sst s8  }
0x11: {  	[smem:$0x3FB5] =	sst s9;
	s0 =	simm.s32 @!p0 $0x0  }
0x12: {  	s1 =	sld [smem:$0x3F9B];
	s0 =	simm.s32 @p0 $0x1  }
0x13: {  	[smem:$0x3FB6] =	sst s0;
	s0 =	simm.s32 @!p1 $0x0  }
0x14: {  	s2 =	sld [smem:$0x3F9A];
	s0 =	simm.s32 @p1 $0x1  }
0x15: {  	[smem:$0x3FB7] =	sst s0;
	s0 =	simm.s32 @!p2 $0x0  }
0x16: {  	s3 =	sld [smem:$0x3FDB];
	s0 =	simm.s32 @p2 $0x1  }
0x17: {  	s4 =	simm.s32 $0x1BF5;
	[smem:$0x3FB9] =	sst s0  }
0x18: {  	s0 =	sld [smem:$0x3F9C];
	_ =	swait.ge [sflag:s4], $0x0  }
0x19: {  	s7 =	sld [smem:$0x3F9D]  }
0x1a: {  	s8 =	sadd.s32 $0xFFFFE003, lr  }
0x1b: {  	s9 =	sadd.s32 $0xFFFFFEF7, lr;
	s5 =	simm.s32 $0xFFFFFFFF;
	p2 =	slt.u32 s8, $0xFFFFF086  }
0x1c: {  	p1 =	slt.u32 s9, $0xF7A;
	s5 =	simm.s32 @!p2 $0x0  }
0x1d: {  	s5 =	simm.s32 @p1 $0x1;
	p0 =	seq.s32 s7, s2  }
0x1e: {  	s7 =	smul.u32 @!p0 $0xF7A, s2;
	p2 =	seq.s32 @!p0 s5, $0x0  }
0x1f: {  	s9 =	smul.u32 $0xF7A, s1;
	s8 =	simm.s32 @!p0 $0x1BF5;
	p2 =	por !p2, p0  }
0x20: {  	[sflag:s8] =	ssyncset.s32 @!p0 $0xFFFFF086;
	s6 =	sadd.s32 @!p0 s3, s7;
	s7 =	simm.s32 @!p0 $0x108  }
0x21: {  	s3 =	sadd.s32 s3, s9;
	s6 =	sadd.s32 @!p0 $0x88, s6;
	s7 =	simm.s32 @p2 $0x1082  }
0x22: {  	[simem:s7], [sflag:s8] =	dma.local @!p0 [hbm:s6], $0xF7A  }
0x23: {  	s9 =	sor.u32 $0xD0000000, s2;
	s6 =	simm.s32 $0x108;
	_ =	swait.ge @!p0 [sflag:s8], $0x0  }
0x24: {  	s3 =	sadd.s32 $0x88, s3;
	s6 =	simm.s32 @!p1 $0x1082;
	[sflag:s4] =	ssyncset.s32 $0xFFFFF086  }
0x25: {  	[simem:s6], [sflag:s4] =	dma.local [hbm:s3], $0xF7A  }
0x26: {  	[smem:$0x3F9D] =	sst s1;
	(tag) =	ssettag s2;
	_ =	strace s9  }
0x27: {  	s1 =	sld [smem:$0x3FAD]  }
0x28: {  	s2 =	sld [smem:$0x3FAE]  }
0x29: {  	s4 =	sld [smem:$0x3FB0]  }
0x2a: {  	p0 =	seq.s32 s5, $0x0;
	s5 =	sld [smem:$0x3FB1]  }
0x2b: {  	s6 =	sld [smem:$0x3FB2]  }
0x2c: {  	s7 =	sld [smem:$0x3FB3]  }
0x2d: {  	s3 =	simm.s32 $0x108;
	s8 =	sld [smem:$0x3FB4]  }
0x2e: {  	s3 =	simm.s32 @!p0 $0x1082;
	s9 =	sld [smem:$0x3FB5]  }
0x2f: {  	lr =	sadd.s32 s0, s3;
	s0 =	sld [smem:$0x3FAC]  }
0x30: {  	s3 =	sld [smem:$0x3FAF]  }
0x31: {  	[smem:$0x3FB8] =	sst s10  }
0x32: {  	s10 =	sld [smem:$0x3FB6];
	_ =	sdelay $0x3  }
0x33: {  	p0 =	seq.s32 s10, $0x1;
	s10 =	sld [smem:$0x3FB8];
	_ =	sdelay $0x3  }
0x34: {  	[smem:$0x3FB8] =	sst s10  }
0x35: {  	s10 =	sld [smem:$0x3FB7];
	_ =	sdelay $0x3  }
0x36: {  	p1 =	seq.s32 s10, $0x1;
	s10 =	sld [smem:$0x3FB8];
	_ =	sdelay $0x3  }
0x37: {  	[smem:$0x3FB8] =	sst s10  }
0x38: {  	s10 =	sld [smem:$0x3FB9]  }
0x39: {  	_ = 	snop;
	(pc) =	sbr.ind lr, $3  }
0x3a: {  	_ = 	snop  }
0x3b: {  	_ = 	snop  }
0x3c: {  	p2 =	seq.s32 s10, $0x1;
	s10 =	sld [smem:$0x3FB8]  }
0x3d: {  	_ =	shalt  }
0x3e: {  	_ =	shalt  }
0x3f: {  	_ =	shalt  }
0x40: {  	_ =	shalt  }
0x41: {  	_ =	shalt  }
0x42: {  	_ =	shalt  }
0x43: {  	_ =	shalt  }
0x44: {  	_ =	shalt  }
0x45: {  	_ =	shalt  }
0x46: {  	_ =	shalt  }
0x47: {  	_ =	shalt  }
0x48: {  	_ =	shalt  }
0x49: {  	_ =	shalt  }
0x4a: {  	_ =	shalt  }
0x4b: {  	_ =	shalt  }
0x4c: {  	_ =	shalt  }
0x4d: {  	_ =	shalt  }
0x4e: {  	_ =	shalt  }
0x4f: {  	_ =	shalt  }
0x50: {  	_ =	shalt  }
0x51: {  	_ =	shalt  }
0x52: {  	_ =	shalt  }
0x53: {  	_ =	shalt  }
0x54: {  	_ =	shalt  }
0x55: {  	_ =	shalt  }
0x56: {  	_ =	shalt  }
0x57: {  	_ =	shalt  }
0x58: {  	_ =	shalt  }
0x59: {  	_ =	shalt  }
0x5a: {  	_ =	shalt  }
0x5b: {  	_ =	shalt  }
0x5c: {  	_ =	shalt  }
0x5d: {  	_ =	shalt  }
0x5e: {  	_ =	shalt  }
0x5f: {  	_ =	shalt  }
0x60: {  	_ =	shalt  }
0x61: {  	_ =	shalt  }
0x62: {  	_ =	shalt  }
0x63: {  	_ =	shalt  }
0x64: {  	_ =	shalt  }
0x65: {  	_ =	shalt  }
0x66: {  	_ =	shalt  }
0x67: {  	_ =	shalt  }
0x68: {  	_ =	shalt  }
0x69: {  	_ =	shalt  }
0x6a: {  	_ =	shalt  }
0x6b: {  	_ =	shalt  }
0x6c: {  	_ =	shalt  }
0x6d: {  	_ =	shalt  }
0x6e: {  	_ =	shalt  }
0x6f: {  	_ =	shalt  }
0x70: {  	_ =	shalt  }
0x71: {  	_ =	shalt  }
0x72: {  	_ =	shalt  }
0x73: {  	_ =	shalt  }
0x74: {  	_ =	shalt  }
0x75: {  	_ =	shalt  }
0x76: {  	_ =	shalt  }
0x77: {  	_ =	shalt  }
0x78: {  	_ =	shalt  }
0x79: {  	_ =	shalt  }
0x7a: {  	_ =	shalt  }
0x7b: {  	_ =	shalt  }
0x7c: {  	_ =	shalt  }
0x7d: {  	_ =	shalt  }
0x7e: {  	_ =	shalt  }
0x7f: {  	_ =	shalt  }
0x80: {  	_ =	shalt  }
0x81: {  	_ =	shalt  }
0x82: {  	_ =	shalt  }
0x83: {  	_ =	shalt  }
0x84: {  	_ =	shalt  }
0x85: {  	_ =	shalt  }
0x86: {  	_ =	shalt  }
0x87: {  	_ =	shalt  }
.Lfunc_end0:
.L_simem_size_0:
called_computation_lowered:
.L_overlay_start_0:
0x88: {  	s2 =	sld [smem:$0x3FD9]  }
0x89: {  	s3 =	sld [smem:$0x3FFE];
	_ =	sdelay $0x1  }
0x8a: {  	s1 =	srdreg.scid  }
0x8b: {  	s0 =	sand.u32 $0x1, s1  }
0x8c: {  	s17 =	sshll.u32 s0, $0xA;
	s2 =	sadd.s32 s3, s2  }
0x8d: {  	s2 =	sadd.s32 s2, s17  }
0x8e: {  	[smem:$0x3FC4] =	sst s2  }
0x8f: {  	_ = 	snop  }
0x90: {  	s2 =	sld [smem:$0x3FD0];
	(tm) =	ssettm $0x1  }
0x91: {  	s18 =	sld [smem:$0x3FFB];
	_ =	sdelay $0x3  }
0x92: {  	_ =	strace s18  }
0x93: {  	s3 =	sld [smem:$0x3FFC];
	_ =	sdelay $0x3  }
0x94: {  	_ =	strace s3  }
0x95: {  	s3 =	sld [smem:$0x3FFD];
	_ =	sdelay $0x3  }
0x96: {  	_ =	strace s3  }
0x97: {  	_ =	strace $0x8FFFFFFF  }
0x98: {  	s19 =	sld [smem:$0x3FDB];
	_ =	sdelay $0x1  }
0x99: {  	s4 =	simm.s32 $_scs_section_size  }
0x9a: {  	s5 =	simm.s32 $_size__tile_overlayer_lowered;
	s6 =	simm.s32 $_tile_overlayer_lowered  }
0x9b: {  	s22 =	simm.s32 $0x1BFF;
	s21 =	sshll.u32 s6, $0x1;
	s3 =	sadd.s32 s4, s19  }
0x9c: {  	s7 =	simm.s32 $0x0;
	s20 =	sshll.u32 s5, $0x1;
	s5 =	sadd.s32 s21, s3  }
0x9d: {  	[timem:s7], [sflag:s22] =	dma.local [hbm:s5], s20  }
0x9e: {  	_ =	swait.ge [sflag:s22], s20  }
0x9f: {  	s4 =	ssub.s32 $0x0, s20;
	[sflag:s22] =	ssyncset.done $0x0  }
0xa0: {  	[sflag:s22] =	ssyncadd.s32 s4;
	_ =	sdelay $0x1  }
0xa1: {  	s23 =	simm.s32 $0x1B8B  }
0xa2: {  	_ =	swait.ge [sflag:s23], $0x1  }
0xa3: {  	[sflag:s23] =	ssyncset.done $0x0  }
0xa4: {  	s25 =	simm.s32 $0x1B8E;
	s24 =	sld [smem:$0x3FFE];
	[sflag:s23] =	ssyncadd.s32 $0xFFFFFFFF  }
0xa5: {  	s26 =	simm.s32 $execute0_lowered;
	[smem:$0x3FD2] =	sst s25  }
0xa6: {  	s5 =	sshll.u32 s26, $0x1;
	_ =	strace $0x80000046;
	[dreg:$0x1] =	wrdreg $0xFFFFFFFF  }
0xa7: {  	s28 =	simm.s32 $_size_execute0_lowered;
	s3 =	sadd.s32 s3, s5;
	[dreg:$0x0] =	wrdreg $0x0  }
0xa8: {  	s5 =	sshll.u32 s28, $0x1;
	[dreg:$0x2] =	wrdreg s3  }
0xa9: {  	[dreg:$0x3] =	wrdreg s5  }
0xaa: {  	[dreg:$0x4] =	wrdreg $0xC0  }
0xab: {  	_ =	task [dreg:s7], $0x5FFFF  }
0xac: {  	[dreg:$0x1] =	wrdreg $0xFFFFFFFF  }
0xad: {  	[dreg:$0x0] =	wrdreg $0x60  }
0xae: {  	[dreg:$0x2] =	wrdreg s24  }
0xaf: {  	[dreg:$0x3] =	wrdreg s2  }
0xb0: {  	[dreg:$0x4] =	wrdreg $0x9  }
0xb1: {  	_ =	task.clear_ibuf [dreg:s7], $0x5FFFF;
	_ =	strace $0x90000046  }
0xb2: {  	s29 =	simm.s32 $0x9;
	_ =	strace $0x80000048  }
0xb3: {  	_ =	swait.ge [sflag:s29], $0x1  }
0xb4: {  	[sflag:s29] =	ssyncadd.s32 $0xFFFFFFFF  }
0xb5: {  	_ =	strace $0x90000048  }
0xb6: {  	_ =	sfence  }
0xb7: {  	s30 =	sld [smem:$0x0];
	_ =	sdelay $0x2  }
0xb8: {  	s31 =	sshll.u32 s1, $0xD;
	s1 =	sshrl.u32 s1, $0x2  }
0xb9: {  	s3 =	sand.u32 $0x4000, s31;
	s1 =	sadd.s32 s1, s30  }
0xba: {  	s0 =	sor.u32 s3, s0;
	s1 =	sshll.u32 s1, $0x11  }
0xbb: {  	s0 =	sor.u32 s1, s0  }
0xbc: {  	s0 =	sadd.s32 $0x8F2B, s0  }
0xbd: {  	[sflag:s0] =	ssyncadd.remote.s32 $0x1  }
0xbe: {  	_ =	sfence.sel $0xFFFF  }
0xbf: {  	[dreg:$0x0] =	wrdreg $0xFFFFFFFF;
	(pc) =	sbr.abs _section_cstart, $3  }
0xc0: {  	[dreg:$0x1] =	wrdreg $0xFFFFFFFF  }
0xc1: {  	_ =	task.clear_ibuf [dreg:s7], $0x2FFFF;
	_ =	strace $0x9FFFFFFF  }
0xc2: {  	(tm) =	ssettm $0x7FFFFFFF  }
0xc3: {  	_ =	shalt  }
tec
execute0_lowered:
.L_overlay_start_1:
0x0: {  	(tag) =	ssettag $0x1  }
0x1: {  	s0 =	rddreg [dreg:$0x0];
	s2 =	simm.s32 $0x0  }
0x2: {  	s29 =	srdreg.scid;
	s11 =	stileid.u32;
	s14 =	simm.s32 $0x2  }
0x3: {  	s16 =	simm.s32 $0x80;
	s17 =	simm.s32 $0xFC28;
	s13 =	simm.s32 $0x14028  }
0x4: {  	s15 =	simm.s32 $0x14828;
	s18 =	simm.s32 $0x13CA8;
	s22 =	simm.s32 $0x13D28  }
0x5: {  	s26 =	simm.s32 $0x13DA8;
	s31 =	simm.s32 $0x13E28;
	s21 =	simm.s32 $0x13EA8  }
0x6: {  	s28 =	simm.s32 $0x13F28;
	s19 =	simm.s32 $0x13FA8;
	s24 =	simm.s32 $0x14BA8  }
0x7: {  	s20 =	simm.s32 $0x0;
	[smem:$0x7FF] =	sst s2;
	s3 =	sadd.s32 $0x2E00, s0  }
0x8: {  	s1 =	sadd.s32 $0xE00, s0;
	s5 =	sadd.s32 $0x5EC00, s0;
	s7 =	sadd.s32 $0x40200, s0  }
0x9: {  	_ =	strace $0x80000047;
	[dreg:$0x3] =	wrdreg s1;
	s1 =	sand.u32 $0x1, s29  }
0xa: {  	v0 =	vimm.s32 $0x7FFF;
	s8 =	sadd.s32 $0x21800, s0;
	s9 =	sadd.s32 $0x7D600, s0;
	s4 =	ssub.s32 $0x2, s1  }
0xb: {  	s10 =	sadd.s32 $0x9C600, s0;
	s12 =	sshll.u32 s11, $0x1;
	s6 =	sshrl.u32 s4, $0x1  }
0xc: {  	s11 =	sadd.s32 $0xBB600, s0;
	s1 =	sor.u32 s1, s12;
	s30 =	ssub.s32 s4, s6  }
0xd: {  	v2 =	vlaneseq.u32;
	s12 =	smul.u32 $0x7C00, s1;
	s1 =	simm.s32 $0x14428;
	s0 =	smax.u32 s30, $0x1  }
0xe: {  	v1 =	vimm.s32 $0x0;
	v2 =	vmul.u32 $0x10, v2;
	s6 =	simm.s32 $0x1;
	s4 =	simm.s32 $0x13C28;
	[dreg:$0x4] =	wrdreg s0  }
.LBB2_1:
0xf: {  	[dreg:$0x5] =	wrdreg s20  }
0x10: {  	s0 =	rddreg [dreg:$0x3]  }
0x11: {  	[tilespmem:s2], [sflag:$0x2] =	stream.linear.gather [hbm4b:s0+s2], $0xF428, $0x38;
	[tilespmem:$0x14C28] =	vst v63  }
0x12: {  	_ =	swait.ge [sflag:s14], $0xF428  }
0x13: {  	[sflag:s14] =	ssyncset.done $0x0  }
0x14: {  	s25 =	simm.s32 $0x0;
	[sflag:s14] =	ssyncadd.s32 $0xFFFF0BD8  }
.LBB2_2:
0x15: {  	s0 =	sshll.u32 s25, $0xA  }
0x16: {  	s0 =	sadd.s32 s12, s0  }
0x17: {  	s30 =	rddreg [dreg:$0x1];
	s29 =	sshrl.u32 s0, $0x3  }
0x18: {  	s23 =	simm.s32 $0xF428;
	s0 =	simm.s32 $0x0;
	s20 =	sadd.s32 s30, s29  }
0x19: {  	[tilespmem:s23], [sflag:$0x2] =	stream.linear.gather [hbm4b:s20+s0], $0x400, $0x38;
	[tilespmem:$0x14C28] =	vst v63  }
0x1a: {  	_ =	swait.ge [sflag:s14], $0x400  }
0x1b: {  	[sflag:s14] =	ssyncset.done $0x0  }
0x1c: {  	[sflag:s14] =	ssyncadd.s32 $0xFFFFFC00  }
.LBB2_3:
0x1d: {  	s20 =	sshra.s32 s0, $0x2;
	v4 =	vld.idx.msk [tilespmem:v0+s2+$0x0], $0xffff  }
0x1e: {  	v3 =	vld [tilespmem:s20+$0xF428];
	_ =	sdelay $0x4  }
0x1f: {  	vm0 =	vlt.f32 v4, v3  }
0x20: {  	v4 =	vsel vm0, $0x8000, v1  }
0x21: {  	v5 =	vor.u32 $0x3FFF, v4;
	_ =	sdelay $0x4  }
0x22: {  	v5 =	vld.idx.msk [tilespmem:v5+s2+$0x0], $0xffff;
	_ =	sdelay $0x4  }
0x23: {  	v6 =	vor.u32 $0x4000, v4;
	vm12 =	vlt.f32 v5, v3  }
0x24: {  	v4 =	vsel vm12, v6, v4  }
0x25: {  	v50 =	vor.u32 $0x1FFF, v4;
	_ =	sdelay $0x4  }
0x26: {  	v5 =	vld.idx.msk [tilespmem:v50+s2+$0x0], $0xffff;
	_ =	sdelay $0x4  }
0x27: {  	v6 =	vor.u32 $0x2000, v4;
	vm13 =	vlt.f32 v5, v3  }
0x28: {  	v4 =	vsel vm13, v6, v4  }
0x29: {  	v51 =	vor.u32 $0xFFF, v4;
	_ =	sdelay $0x4  }
0x2a: {  	v5 =	vld.idx.msk [tilespmem:v51+s2+$0x0], $0xffff;
	_ =	sdelay $0x4  }
0x2b: {  	v6 =	vor.u32 $0x1000, v4;
	vm14 =	vlt.f32 v5, v3  }
0x2c: {  	v4 =	vsel vm14, v6, v4  }
0x2d: {  	v52 =	vadd.s32 $0x800, v4  }
0x2e: {  	v53 =	vmin.u32 v52, $0xF424  }
0x2f: {  	v6 =	vadd.s32 $0xFFFFFFFF, v53;
	_ =	sdelay $0x4  }
0x30: {  	v6 =	vld.idx.msk [tilespmem:v6+s2+$0x0], $0xffff;
	_ =	sdelay $0x4  }
0x31: {  	vm0 =	vlt.u32 v4, $0xEC25;
	vm1 =	vlt.f32 v6, v3  }
0x32: {  	vm0 =	vmand vm1, vm0  }
0x33: {  	v4 =	vsel vm0, v52, v4  }
0x34: {  	v5 =	vadd.s32 $0x400, v4  }
0x35: {  	v54 =	vmin.u32 v5, $0xF424  }
0x36: {  	v6 =	vadd.s32 $0xFFFFFFFF, v54;
	_ =	sdelay $0x4  }
0x37: {  	v6 =	vld.idx.msk [tilespmem:v6+s2+$0x0], $0xffff;
	_ =	sdelay $0x4  }
0x38: {  	vm0 =	vlt.u32 v4, $0xF025;
	vm15 =	vlt.f32 v6, v3  }
0x39: {  	vm0 =	vmand vm15, vm0  }
0x3a: {  	v4 =	vsel vm0, v5, v4  }
0x3b: {  	v5 =	vadd.s32 $0x200, v4  }
0x3c: {  	v55 =	vmin.u32 v5, $0xF424  }
0x3d: {  	v6 =	vadd.s32 $0xFFFFFFFF, v55;
	_ =	sdelay $0x4  }
0x3e: {  	v6 =	vld.idx.msk [tilespmem:v6+s2+$0x0], $0xffff;
	_ =	sdelay $0x4  }
0x3f: {  	vm0 =	vlt.u32 v4, $0xF225;
	vm4 =	vlt.f32 v6, v3  }
0x40: {  	vm0 =	vmand vm4, vm0  }
0x41: {  	v4 =	vsel vm0, v5, v4  }
0x42: {  	v5 =	vadd.s32 $0x100, v4  }
0x43: {  	v56 =	vmin.u32 v5, $0xF424  }
0x44: {  	v6 =	vadd.s32 $0xFFFFFFFF, v56;
	_ =	sdelay $0x4  }
0x45: {  	v6 =	vld.idx.msk [tilespmem:v6+s2+$0x0], $0xffff;
	_ =	sdelay $0x4  }
0x46: {  	vm0 =	vlt.u32 v4, $0xF325;
	vm5 =	vlt.f32 v6, v3  }
0x47: {  	vm0 =	vmand vm5, vm0  }
0x48: {  	v4 =	vsel vm0, v5, v4  }
0x49: {  	v5 =	vadd.s32 $0x80, v4  }
0x4a: {  	v57 =	vmin.u32 v5, $0xF424  }
0x4b: {  	v6 =	vadd.s32 $0xFFFFFFFF, v57;
	_ =	sdelay $0x4  }
0x4c: {  	v6 =	vld.idx.msk [tilespmem:v6+s2+$0x0], $0xffff;
	_ =	sdelay $0x4  }
0x4d: {  	vm0 =	vlt.u32 v4, $0xF3A5;
	vm6 =	vlt.f32 v6, v3  }
0x4e: {  	vm0 =	vmand vm6, vm0  }
0x4f: {  	v4 =	vsel vm0, v5, v4  }
0x50: {  	v5 =	vadd.s32 $0x40, v4  }
0x51: {  	v58 =	vmin.u32 v5, $0xF424  }
0x52: {  	v6 =	vadd.s32 $0xFFFFFFFF, v58;
	_ =	sdelay $0x4  }
0x53: {  	v6 =	vld.idx.msk [tilespmem:v6+s2+$0x0], $0xffff;
	_ =	sdelay $0x4  }
0x54: {  	vm0 =	vlt.u32 v4, $0xF3E5;
	vm7 =	vlt.f32 v6, v3  }
0x55: {  	vm0 =	vmand vm7, vm0  }
0x56: {  	v4 =	vsel vm0, v5, v4  }
0x57: {  	v5 =	vadd.s32 $0x20, v4  }
0x58: {  	v59 =	vmin.u32 v5, $0xF424  }
0x59: {  	v6 =	vadd.s32 $0xFFFFFFFF, v59;
	_ =	sdelay $0x4  }
0x5a: {  	v6 =	vld.idx.msk [tilespmem:v6+s2+$0x0], $0xffff;
	_ =	sdelay $0x4  }
0x5b: {  	vm0 =	vlt.u32 v4, $0xF405;
	vm8 =	vlt.f32 v6, v3  }
0x5c: {  	vm0 =	vmand vm8, vm0  }
0x5d: {  	v4 =	vsel vm0, v5, v4  }
0x5e: {  	v5 =	vadd.s32 $0x10, v4  }
0x5f: {  	v60 =	vmin.u32 v5, $0xF424  }
0x60: {  	v6 =	vadd.s32 $0xFFFFFFFF, v60;
	_ =	sdelay $0x4  }
0x61: {  	v6 =	vld.idx.msk [tilespmem:v6+s2+$0x0], $0xffff;
	_ =	sdelay $0x4  }
0x62: {  	vm0 =	vlt.u32 v4, $0xF415;
	vm9 =	vlt.f32 v6, v3  }
0x63: {  	vm0 =	vmand vm9, vm0  }
0x64: {  	v4 =	vsel vm0, v5, v4  }
0x65: {  	v5 =	vadd.s32 $0x8, v4  }
0x66: {  	v61 =	vmin.u32 v5, $0xF424  }
0x67: {  	v6 =	vadd.s32 $0xFFFFFFFF, v61;
	_ =	sdelay $0x4  }
0x68: {  	v6 =	vld.idx.msk [tilespmem:v6+s2+$0x0], $0xffff;
	_ =	sdelay $0x4  }
0x69: {  	vm0 =	vlt.u32 v4, $0xF41D;
	vm10 =	vlt.f32 v6, v3  }
0x6a: {  	vm0 =	vmand vm10, vm0  }
0x6b: {  	v4 =	vsel vm0, v5, v4  }
0x6c: {  	v5 =	vadd.s32 $0x4, v4  }
0x6d: {  	v62 =	vmin.u32 v5, $0xF424  }
0x6e: {  	v6 =	vadd.s32 $0xFFFFFFFF, v62;
	_ =	sdelay $0x4  }
0x6f: {  	v6 =	vld.idx.msk [tilespmem:v6+s2+$0x0], $0xffff;
	_ =	sdelay $0x4  }
0x70: {  	vm0 =	vlt.u32 v4, $0xF421;
	vm11 =	vlt.f32 v6, v3  }
0x71: {  	vm0 =	vmand vm11, vm0  }
0x72: {  	v4 =	vsel vm0, v5, v4  }
0x73: {  	v5 =	vadd.s32 $0x2, v4  }
0x74: {  	v63 =	vmin.u32 v5, $0xF424  }
0x75: {  	v6 =	vadd.s32 $0xFFFFFFFF, v63;
	_ =	sdelay $0x4  }
0x76: {  	v6 =	vld.idx.msk [tilespmem:v6+s2+$0x0], $0xffff;
	_ =	sdelay $0x4  }
0x77: {  	vm0 =	vlt.u32 v4, $0xF423;
	vm12 =	vlt.f32 v6, v3  }
0x78: {  	vm0 =	vmand vm12, vm0  }
0x79: {  	v4 =	vsel vm0, v5, v4  }
0x7a: {  	v5 =	vmin.u32 v4, $0xF423;
	_ =	sdelay $0x4  }
0x7b: {  	v5 =	vld.idx.msk [tilespmem:v5+s2+$0x0], $0xffff;
	_ =	sdelay $0x4  }
0x7c: {  	vm13 =	vlt.f32 v5, v3  }
0x7d: {  	vm14 =	vgt.u32 v4, $0xF423;
	vm0 =	vmneg vm13  }
0x7e: {  	p0 =	sne.s32 s0, $0xFC0;
	vm0 =	vmor vm0, vm14  }
.Ltmp0:
0x7f: {  	v3 =	vsel vm0, $0xFFFFFFFF, v1;
	(pc) =	sbr.rel @p0 .LBB2_3-.Ltmp0, $4  }
0x80: {  	v3 =	vadd.s32 v3, v4  }
0x81: {  	vm15 =	vgt.s32 v3, $0x0  }
0x82: {  	v3 =	vnsel vm15, $0x0, v3  }
0x83: {  	s0 =	sadd.s32 $0x40, s0;
	[tilespmem:s20+$0xF828] =	vst v3  }
0x84: {  	s0 =	simm.s32 $0xF828  }
0x85: {  	[tilespmem:s17], [sflag:$0x1] =	stream.indirect.gather [hbm4b:s3+s16], $0x10, s0, s16, $0xb8;
	[tilespmem:$0x14C28] =	vst v63  }
0x86: {  	s20 =	simm.s32 $0xF8A8;
	s23 =	simm.s32 $0x10428  }
0x87: {  	[tilespmem:s23], [sflag:$0x1] =	stream.indirect.gather [hbm4b:s3+s16], $0x10, s20, s16, $0xb8;
	[tilespmem:$0x14C28] =	vst v63  }
0x88: {  	s20 =	simm.s32 $0xF928;
	s23 =	simm.s32 $0x10C28  }
0x89: {  	[tilespmem:s23], [sflag:$0x1] =	stream.indirect.gather [hbm4b:s3+s16], $0x10, s20, s16, $0xb8;
	[tilespmem:$0x14C28] =	vst v63  }
0x8a: {  	s20 =	simm.s32 $0xF9A8;
	s23 =	simm.s32 $0x11428  }
0x8b: {  	[tilespmem:s23], [sflag:$0x1] =	stream.indirect.gather [hbm4b:s3+s16], $0x10, s20, s16, $0xb8;
	[tilespmem:$0x14C28] =	vst v63  }
0x8c: {  	s20 =	simm.s32 $0xFA28;
	s23 =	simm.s32 $0x11C28  }
0x8d: {  	[tilespmem:s23], [sflag:$0x1] =	stream.indirect.gather [hbm4b:s3+s16], $0x10, s20, s16, $0xb8;
	[tilespmem:$0x14C28] =	vst v63  }
0x8e: {  	s20 =	simm.s32 $0xFAA8;
	s23 =	simm.s32 $0x12428  }
0x8f: {  	[tilespmem:s23], [sflag:$0x1] =	stream.indirect.gather [hbm4b:s3+s16], $0x10, s20, s16, $0xb8;
	[tilespmem:$0x14C28] =	vst v63  }
0x90: {  	s20 =	simm.s32 $0xFB28;
	s23 =	simm.s32 $0x12C28  }
0x91: {  	[tilespmem:s23], [sflag:$0x1] =	stream.indirect.gather [hbm4b:s3+s16], $0x10, s20, s16, $0xb8;
	[tilespmem:$0x14C28] =	vst v63  }
0x92: {  	s20 =	simm.s32 $0xFBA8;
	s23 =	simm.s32 $0x13428  }
0x93: {  	[tilespmem:s23], [sflag:$0x1] =	stream.indirect.gather [hbm4b:s3+s16], $0x10, s20, s16, $0xb8;
	[tilespmem:$0x14C28] =	vst v63  }
0x94: {  	_ =	swait.ge [sflag:s6], $0x800  }
0x95: {  	[sflag:s6] =	ssyncset.done $0x0  }
0x96: {  	[sflag:s6] =	ssyncadd.s32 $0xFFFFF800  }
0x97: {  	_ =	swait.ge [sflag:s6], $0x800  }
0x98: {  	[sflag:s6] =	ssyncset.done $0x0  }
0x99: {  	[sflag:s6] =	ssyncadd.s32 $0xFFFFF800  }
0x9a: {  	_ =	swait.ge [sflag:s6], $0x800  }
0x9b: {  	[sflag:s6] =	ssyncset.done $0x0  }
0x9c: {  	[sflag:s6] =	ssyncadd.s32 $0xFFFFF800  }
0x9d: {  	_ =	swait.ge [sflag:s6], $0x800  }
0x9e: {  	[sflag:s6] =	ssyncset.done $0x0  }
0x9f: {  	[sflag:s6] =	ssyncadd.s32 $0xFFFFF800  }
0xa0: {  	_ =	swait.ge [sflag:s6], $0x800  }
0xa1: {  	[sflag:s6] =	ssyncset.done $0x0  }
0xa2: {  	[sflag:s6] =	ssyncadd.s32 $0xFFFFF800  }
0xa3: {  	s23 =	simm.s32 $0x0;
	_ =	swait.ge [sflag:s6], $0x800  }
0xa4: {  	v3 =	vmov s23;
	[sflag:s6] =	ssyncset.done $0x0  }
0xa5: {  	v3 =	vshll.u32 v3, $0x4;
	[sflag:s6] =	ssyncadd.s32 $0xFFFFF800  }
0xa6: {  	v3 =	vor.u32 v2, v3;
	_ =	swait.ge [sflag:s6], $0x800  }
0xa7: {  	v4 =	vor.u32 $0x1, v3;
	[sflag:s6] =	ssyncset.done $0x0  }
0xa8: {  	[sflag:s6] =	ssyncadd.s32 $0xFFFFF800  }
0xa9: {  	_ =	swait.ge [sflag:s6], $0x800  }
0xaa: {  	[sflag:s6] =	ssyncset.done $0x0  }
0xab: {  	v5 =	vor.u32 $0x2, v3;
	[sflag:s6] =	ssyncadd.s32 $0xFFFFF800  }
0xac: {  	v6 =	vor.u32 $0x3, v3;
	v4 =	vld.idx.msk [tilespmem:v4+s17+$0x0], $0xffff  }
0xad: {  	s20 =	simm.s32 $0xF428;
	v7 =	vor.u32 $0x4, v3;
	v8 =	vld.idx.msk [tilespmem:v3+s17+$0x0], $0xffff  }
0xae: {  	s23 =	simm.s32 $0x10;
	v9 =	vor.u32 $0x5, v3;
	v10 =	vld [tilespmem:s20+$0x0]  }
0xaf: {  	v12 =	vmov s23;
	v11 =	vor.u32 $0x6, v3;
	v13 =	vld [tilespmem:s0+$0x0]  }
0xb0: {  	v12 =	vshll.u32 v12, $0x4;
	v14 =	vor.u32 $0x7, v3;
	v15 =	vor.u32 $0x8, v3;
	v5 =	vld.idx.msk [tilespmem:v5+s17+$0x0], $0xffff  }
0xb1: {  	v12 =	vor.u32 v2, v12;
	v16 =	vor.u32 $0x9, v3;
	v17 =	vor.u32 $0xF, v3;
	v6 =	vld.idx.msk [tilespmem:v6+s17+$0x0], $0xffff  }
0xb2: {  	v18 =	vor.u32 $0xA, v3;
	v19 =	vor.u32 $0xD, v3;
	v20 =	vor.u32 $0xE, v3;
	v7 =	vld.idx.msk [tilespmem:v7+s17+$0x0], $0xffff  }
0xb3: {  	v9 =	vld.idx.msk [tilespmem:v9+s17+$0x0], $0xffff;
	vm0 =	vlt.f32 v8, v10;
	v8 =	vor.u32 $0xB, v3;
	v3 =	vor.u32 $0xC, v3  }
0xb4: {  	v11 =	vld.idx.msk [tilespmem:v11+s17+$0x0], $0xffff;
	vm8 =	vlt.f32 v4, v10;
	v4 =	vshll.u32 v13, $0x4;
	v21 =	vsel vm0, $0x1, v1  }
0xb5: {  	v33 =	vld.idx.msk [tilespmem:v14+s17+$0x0], $0xffff;
	vm9 =	vlt.f32 v5, v10;
	v34 =	vsel vm8, $0x1, v1;
	v4 =	vor.u32 v21, v4  }
0xb6: {  	v5 =	vld.idx.msk [tilespmem:v15+s17+$0x0], $0xffff;
	vm10 =	vlt.f32 v6, v10;
	v35 =	vsel vm9, $0x1, v1;
	v4 =	vadd.s32 v34, v4  }
0xb7: {  	v6 =	vld.idx.msk [tilespmem:v16+s17+$0x0], $0xffff;
	vm11 =	vlt.f32 v7, v10;
	v36 =	vsel vm10, $0x1, v1;
	v4 =	vadd.s32 v35, v4  }
0xb8: {  	v7 =	vld.idx.msk [tilespmem:v18+s17+$0x0], $0xffff;
	vm12 =	vlt.f32 v9, v10;
	v37 =	vsel vm11, $0x1, v1;
	v4 =	vadd.s32 v36, v4  }
0xb9: {  	vm13 =	vlt.f32 v11, v10;
	v9 =	vsel vm12, $0x1, v1;
	v8 =	vld.idx.msk [tilespmem:v8+s17+$0x0], $0xffff;
	v4 =	vadd.s32 v37, v4  }
0xba: {  	vm14 =	vlt.f32 v33, v10;
	v11 =	vsel vm13, $0x1, v1;
	v3 =	vld.idx.msk [tilespmem:v3+s17+$0x0], $0xffff;
	v4 =	vadd.s32 v9, v4  }
0xbb: {  	v38 =	vld.idx.msk [tilespmem:v19+s17+$0x0], $0xffff;
	v13 =	vsel vm14, $0x1, v1;
	vm15 =	vlt.f32 v5, v10;
	v4 =	vadd.s32 v11, v4  }
0xbc: {  	v5 =	vld.idx.msk [tilespmem:v20+s17+$0x0], $0xffff;
	vm4 =	vlt.f32 v6, v10;
	v39 =	vsel vm15, $0x1, v1;
	v4 =	vadd.s32 v13, v4  }
0xbd: {  	v6 =	vld.idx.msk [tilespmem:v17+s17+$0x0], $0xffff;
	vm5 =	vlt.f32 v7, v10;
	v40 =	vsel vm4, $0x1, v1;
	v4 =	vadd.s32 v39, v4  }
0xbe: {  	v7 =	vsel vm5, $0x1, v1;
	vm6 =	vlt.f32 v8, v10;
	v4 =	vadd.s32 v40, v4  }
0xbf: {  	vm7 =	vlt.f32 v3, v10;
	v8 =	vsel vm6, $0x1, v1;
	v3 =	vadd.s32 v7, v4  }
0xc0: {  	vm8 =	vlt.f32 v38, v10;
	v4 =	vsel vm7, $0x1, v1;
	v3 =	vadd.s32 v8, v3  }
0xc1: {  	vm9 =	vlt.f32 v5, v10;
	v7 =	vsel vm8, $0x1, v1;
	v3 =	vadd.s32 v4, v3  }
0xc2: {  	vm10 =	vlt.f32 v6, v10;
	v4 =	vsel vm9, $0x1, v1;
	v3 =	vadd.s32 v7, v3  }
0xc3: {  	v5 =	vsel vm10, $0x1, v1;
	v3 =	vadd.s32 v4, v3;
	v4 =	vor.u32 $0x1, v12  }
0xc4: {  	v3 =	vadd.s32 v5, v3  }
0xc5: {  	vm11 =	vlt.s32 v3, $0xF423F  }
0xc6: {  	s30 =	simm.s32 $0x13C28;
	v3 =	vnsel vm11, $0xF423F, v3  }
0xc7: {  	v5 =	vor.u32 $0x2, v12;
	[tilespmem:s30+$0x0] =	vst v3  }
0xc8: {  	v3 =	vor.u32 $0x3, v12;
	v4 =	vld.idx.msk [tilespmem:v4+s17+$0x0], $0xffff  }
0xc9: {  	s0 =	simm.s32 $0xF438;
	v6 =	vor.u32 $0x4, v12;
	v7 =	vld.idx.msk [tilespmem:v12+s17+$0x0], $0xffff  }
0xca: {  	s23 =	simm.s32 $0x20;
	s20 =	simm.s32 $0xF838;
	v8 =	vor.u32 $0x5, v12;
	v41 =	vld [tilespmem:s0+$0x0]  }
0xcb: {  	v43 =	vmov s23;
	v42 =	vor.u32 $0x6, v12;
	v44 =	vld [tilespmem:s20+$0x0]  }
0xcc: {  	v45 =	vor.u32 $0x7, v12;
	v46 =	vor.u32 $0x8, v12;
	v48 =	vor.u32 $0x9, v12;
	v5 =	vld.idx.msk [tilespmem:v5+s17+$0x0], $0xffff  }
0xcd: {  	v49 =	vor.u32 $0xF, v12;
	v50 =	vor.u32 $0xA, v12;
	v11 =	vshll.u32 v43, $0x4;
	v47 =	vld.idx.msk [tilespmem:v3+s17+$0x0], $0xffff  }
0xce: {  	v51 =	vor.u32 $0xD, v12;
	v52 =	vor.u32 $0xE, v12;
	v6 =	vld.idx.msk [tilespmem:v6+s17+$0x0], $0xffff;
	v3 =	vor.u32 v2, v11  }
0xcf: {  	v8 =	vld.idx.msk [tilespmem:v8+s17+$0x0], $0xffff;
	vm12 =	vlt.f32 v7, v41;
	v7 =	vor.u32 $0xB, v12;
	v12 =	vor.u32 $0xC, v12  }
0xd0: {  	v10 =	vld.idx.msk [tilespmem:v42+s17+$0x0], $0xffff;
	vm13 =	vlt.f32 v4, v41;
	v4 =	vshll.u32 v44, $0x4;
	v53 =	vsel vm12, $0x1, v1  }
0xd1: {  	v54 =	vld.idx.msk [tilespmem:v45+s17+$0x0], $0xffff;
	v55 =	vsel vm13, $0x1, v1;
	vm14 =	vlt.f32 v5, v41;
	v4 =	vor.u32 v53, v4  }
0xd2: {  	v5 =	vld.idx.msk [tilespmem:v46+s17+$0x0], $0xffff;
	v56 =	vsel vm14, $0x1, v1;
	v4 =	vadd.s32 v55, v4;
	vm15 =	vlt.f32 v47, v41  }
0xd3: {  	v11 =	vld.idx.msk [tilespmem:v48+s17+$0x0], $0xffff;
	vm4 =	vlt.f32 v6, v41;
	v4 =	vadd.s32 v56, v4;
	v57 =	vsel vm15, $0x1, v1  }
0xd4: {  	v6 =	vld.idx.msk [tilespmem:v50+s17+$0x0], $0xffff;
	vm5 =	vlt.f32 v8, v41;
	v58 =	vsel vm4, $0x1, v1;
	v4 =	vadd.s32 v57, v4  }
0xd5: {  	vm6 =	vlt.f32 v10, v41;
	v8 =	vsel vm5, $0x1, v1;
	v7 =	vld.idx.msk [tilespmem:v7+s17+$0x0], $0xffff;
	v4 =	vadd.s32 v58, v4  }
0xd6: {  	vm7 =	vlt.f32 v54, v41;
	v60 =	vsel vm6, $0x1, v1;
	v59 =	vld.idx.msk [tilespmem:v12+s17+$0x0], $0xffff;
	v4 =	vadd.s32 v8, v4  }
0xd7: {  	v13 =	vsel vm7, $0x1, v1;
	vm8 =	vlt.f32 v5, v41;
	v8 =	vld.idx.msk [tilespmem:v51+s17+$0x0], $0xffff;
	v4 =	vadd.s32 v60, v4  }
0xd8: {  	vm9 =	vlt.f32 v11, v41;
	v5 =	vld.idx.msk [tilespmem:v52+s17+$0x0], $0xffff;
	v61 =	vsel vm8, $0x1, v1;
	v4 =	vadd.s32 v13, v4  }
0xd9: {  	v62 =	vld.idx.msk [tilespmem:v49+s17+$0x0], $0xffff;
	v63 =	vsel vm9, $0x1, v1;
	vm10 =	vlt.f32 v6, v41;
	v4 =	vadd.s32 v61, v4  }
0xda: {  	v6 =	vsel vm10, $0x1, v1;
	vm11 =	vlt.f32 v7, v41;
	v4 =	vadd.s32 v63, v4  }
0xdb: {  	vm12 =	vlt.f32 v59, v41;
	v7 =	vsel vm11, $0x1, v1;
	v4 =	vadd.s32 v6, v4  }
0xdc: {  	v6 =	vsel vm12, $0x1, v1;
	vm13 =	vlt.f32 v8, v41;
	v4 =	vadd.s32 v7, v4  }
0xdd: {  	vm14 =	vlt.f32 v5, v41;
	v7 =	vsel vm13, $0x1, v1;
	v4 =	vadd.s32 v6, v4  }
0xde: {  	vm15 =	vlt.f32 v62, v41;
	v6 =	vsel vm14, $0x1, v1;
	v7 =	vadd.s32 v7, v4  }
0xdf: {  	s23 =	simm.s32 $0x30;
	v5 =	vsel vm15, $0x1, v1;
	v4 =	vor.u32 $0x2, v3;
	v6 =	vadd.s32 v6, v7  }
.LBB2_5:
0xe0: {  	p0 =	sne.s32 s23, $0x3F0;
	v7 =	vor.u32 $0x1, v3;
	v5 =	vadd.s32 v5, v6  }
0xe1: {  	vm0 =	vlt.s32 v5, $0xF423F  }
0xe2: {  	s30 =	sadd.s32 $0x10, s30;
	v5 =	vnsel vm0, $0xF423F, v5  }
0xe3: {  	[tilespmem:s30+$0x0] =	vst v5  }
0xe4: {  	v5 =	vor.u32 $0x3, v3;
	v4 =	vld.idx.msk [tilespmem:v4+s17+$0x0], $0xffff  }
0xe5: {  	v6 =	vld.idx.msk [tilespmem:v7+s17+$0x0], $0xffff;
	v7 =	vor.u32 $0x4, v3  }
0xe6: {  	v9 =	vor.u32 $0x5, v3;
	s0 =	sadd.s32 $0x10, s0;
	v8 =	vld.idx.msk [tilespmem:v3+s17+$0x0], $0xffff  }
0xe7: {  	v11 =	vor.u32 $0x6, v3;
	s20 =	sadd.s32 $0x10, s20;
	v10 =	vld [tilespmem:s0+$0x0]  }
0xe8: {  	v12 =	vmov s23;
	v14 =	vor.u32 $0x7, v3;
	v13 =	vld [tilespmem:s20+$0x0]  }
0xe9: {  	v15 =	vor.u32 $0x8, v3;
	v12 =	vshll.u32 v12, $0x4;
	v5 =	vld.idx.msk [tilespmem:v5+s17+$0x0], $0xffff  }
0xea: {  	v16 =	vor.u32 $0x9, v3;
	v17 =	vor.u32 $0xF, v3;
	v12 =	vor.u32 v2, v12;
	v7 =	vld.idx.msk [tilespmem:v7+s17+$0x0], $0xffff  }
0xeb: {  	v18 =	vor.u32 $0xA, v3;
	v19 =	vor.u32 $0xD, v3;
	v20 =	vor.u32 $0xE, v3;
	v9 =	vld.idx.msk [tilespmem:v9+s17+$0x0], $0xffff  }
0xec: {  	v21 =	vor.u32 $0xC, v3;
	vm0 =	vlt.f32 v8, v10;
	v8 =	vld.idx.msk [tilespmem:v11+s17+$0x0], $0xffff;
	v11 =	vor.u32 $0xB, v3;
	v3 =	vmovc v12  }
0xed: {  	v12 =	vsel vm0, $0x1, v1;
	vm0 =	vlt.f32 v6, v10;
	v6 =	vld.idx.msk [tilespmem:v14+s17+$0x0], $0xffff;
	v13 =	vshll.u32 v13, $0x4  }
0xee: {  	v14 =	vsel vm0, $0x1, v1;
	vm0 =	vlt.f32 v4, v10;
	v4 =	vld.idx.msk [tilespmem:v15+s17+$0x0], $0xffff;
	v12 =	vor.u32 v12, v13  }
0xef: {  	v13 =	vsel vm0, $0x1, v1;
	vm0 =	vlt.f32 v5, v10;
	v5 =	vld.idx.msk [tilespmem:v16+s17+$0x0], $0xffff;
	v12 =	vadd.s32 v14, v12  }
0xf0: {  	v14 =	vsel vm0, $0x1, v1;
	vm0 =	vlt.f32 v7, v10;
	v7 =	vld.idx.msk [tilespmem:v18+s17+$0x0], $0xffff;
	v12 =	vadd.s32 v13, v12  }
0xf1: {  	v13 =	vsel vm0, $0x1, v1;
	vm0 =	vlt.f32 v9, v10;
	v9 =	vld.idx.msk [tilespmem:v11+s17+$0x0], $0xffff;
	v11 =	vadd.s32 v14, v12  }
0xf2: {  	v12 =	vsel vm0, $0x1, v1;
	vm0 =	vlt.f32 v8, v10;
	v8 =	vld.idx.msk [tilespmem:v21+s17+$0x0], $0xffff;
	v11 =	vadd.s32 v13, v11  }
0xf3: {  	v13 =	vsel vm0, $0x1, v1;
	vm0 =	vlt.f32 v6, v10;
	v6 =	vld.idx.msk [tilespmem:v19+s17+$0x0], $0xffff;
	v11 =	vadd.s32 v12, v11  }
0xf4: {  	v12 =	vsel vm0, $0x1, v1;
	vm0 =	vlt.f32 v4, v10;
	v4 =	vld.idx.msk [tilespmem:v20+s17+$0x0], $0xffff;
	v11 =	vadd.s32 v13, v11  }
0xf5: {  	v13 =	vsel vm0, $0x1, v1;
	vm0 =	vlt.f32 v5, v10;
	v5 =	vld.idx.msk [tilespmem:v17+s17+$0x0], $0xffff;
	v11 =	vadd.s32 v12, v11  }
0xf6: {  	v12 =	vsel vm0, $0x1, v1;
	vm0 =	vlt.f32 v7, v10;
	v7 =	vadd.s32 v13, v11  }
0xf7: {  	v11 =	vsel vm0, $0x1, v1;
	vm0 =	vlt.f32 v9, v10;
	v7 =	vadd.s32 v12, v7  }
.Ltmp1:
0xf8: {  	v9 =	vsel vm0, $0x1, v1;
	vm0 =	vlt.f32 v8, v10;
	v7 =	vadd.s32 v11, v7;
	(pc) =	sbr.rel @p0 .LBB2_5-.Ltmp1, $4  }
0xf9: {  	v8 =	vsel vm0, $0x1, v1;
	vm0 =	vlt.f32 v6, v10;
	v6 =	vadd.s32 v9, v7  }
0xfa: {  	v7 =	vsel vm0, $0x1, v1;
	vm0 =	vlt.f32 v4, v10;
	v4 =	vadd.s32 v8, v6  }
0xfb: {  	v6 =	vsel vm0, $0x1, v1;
	vm0 =	vlt.f32 v5, v10;
	v7 =	vadd.s32 v7, v4  }
0xfc: {  	s23 =	sadd.s32 $0x10, s23;
	v4 =	vor.u32 $0x2, v3;
	v5 =	vsel vm0, $0x1, v1;
	v6 =	vadd.s32 v6, v7  }
0xfd: {  	v5 =	vadd.s32 v5, v6  }
0xfe: {  	vm0 =	vlt.s32 v5, $0xF423F  }
0xff: {  	v44 =	vor.u32 $0x1, v3;
	s23 =	sadd.s32 $0x10, s30;
	v5 =	vnsel vm0, $0xF423F, v5  }
0x100: {  	s0 =	sadd.s32 $0x10, s0;
	[tilespmem:s23+$0x0] =	vst v5  }
0x101: {  	v7 =	vor.u32 $0x3, v3;
	s30 =	sadd.s32 $0x10, s20;
	v5 =	vld [tilespmem:s0+$0x0]  }
0x102: {  	v9 =	vor.u32 $0x4, v3;
	v8 =	vld [tilespmem:s30+$0x0]  }
0x103: {  	v11 =	vor.u32 $0x5, v3;
	v10 =	vld.idx.msk [tilespmem:v3+s17+$0x0], $0xffff  }
0x104: {  	v12 =	vor.u32 $0x6, v3;
	v6 =	vld.idx.msk [tilespmem:v44+s17+$0x0], $0xffff  }
0x105: {  	v13 =	vor.u32 $0x7, v3;
	v4 =	vld.idx.msk [tilespmem:v4+s17+$0x0], $0xffff  }
0x106: {  	v14 =	vor.u32 $0x8, v3;
	v15 =	vor.u32 $0x9, v3;
	v16 =	vor.u32 $0xF, v3;
	v7 =	vld.idx.msk [tilespmem:v7+s17+$0x0], $0xffff  }
0x107: {  	v17 =	vor.u32 $0xA, v3;
	v18 =	vor.u32 $0xD, v3;
	v19 =	vor.u32 $0xE, v3;
	v9 =	vld.idx.msk [tilespmem:v9+s17+$0x0], $0xffff  }
0x108: {  	v45 =	vor.u32 $0xB, v3;
	v3 =	vor.u32 $0xC, v3;
	v11 =	vld.idx.msk [tilespmem:v11+s17+$0x0], $0xffff;
	vm11 =	vlt.f32 v10, v5  }
0x109: {  	v12 =	vld.idx.msk [tilespmem:v12+s17+$0x0], $0xffff;
	v46 =	vshll.u32 v8, $0x4;
	v20 =	vsel vm11, $0x1, v1;
	vm12 =	vlt.f32 v6, v5  }
0x10a: {  	v47 =	vld.idx.msk [tilespmem:v13+s17+$0x0], $0xffff;
	vm13 =	vlt.f32 v4, v5;
	v48 =	vsel vm12, $0x1, v1;
	v49 =	vor.u32 v20, v46  }
0x10b: {  	v50 =	vld.idx.msk [tilespmem:v14+s17+$0x0], $0xffff;
	v51 =	vsel vm13, $0x1, v1;
	vm14 =	vlt.f32 v7, v5;
	v4 =	vadd.s32 v48, v49  }
0x10c: {  	v52 =	vld.idx.msk [tilespmem:v15+s17+$0x0], $0xffff;
	vm15 =	vlt.f32 v9, v5;
	v53 =	vsel vm14, $0x1, v1;
	v4 =	vadd.s32 v51, v4  }
0x10d: {  	v54 =	vld.idx.msk [tilespmem:v17+s17+$0x0], $0xffff;
	vm4 =	vlt.f32 v11, v5;
	v55 =	vsel vm15, $0x1, v1;
	v4 =	vadd.s32 v53, v4  }
0x10e: {  	v10 =	vld.idx.msk [tilespmem:v45+s17+$0x0], $0xffff;
	vm5 =	vlt.f32 v12, v5;
	v11 =	vsel vm4, $0x1, v1;
	v4 =	vadd.s32 v55, v4  }
0x10f: {  	v3 =	vld.idx.msk [tilespmem:v3+s17+$0x0], $0xffff;
	vm6 =	vlt.f32 v47, v5;
	v12 =	vsel vm5, $0x1, v1;
	v4 =	vadd.s32 v11, v4  }
0x110: {  	v56 =	vld.idx.msk [tilespmem:v18+s17+$0x0], $0xffff;
	vm7 =	vlt.f32 v50, v5;
	v57 =	vsel vm6, $0x1, v1;
	v4 =	vadd.s32 v12, v4  }
0x111: {  	v58 =	vld.idx.msk [tilespmem:v19+s17+$0x0], $0xffff;
	vm8 =	vlt.f32 v52, v5;
	v59 =	vsel vm7, $0x1, v1;
	v4 =	vadd.s32 v57, v4  }
0x112: {  	v60 =	vld.idx.msk [tilespmem:v16+s17+$0x0], $0xffff;
	vm9 =	vlt.f32 v54, v5;
	v61 =	vsel vm8, $0x1, v1;
	v4 =	vadd.s32 v59, v4  }
0x113: {  	v9 =	vsel vm9, $0x1, v1;
	vm10 =	vlt.f32 v10, v5;
	v4 =	vadd.s32 v61, v4  }
0x114: {  	vm11 =	vlt.f32 v3, v5;
	v10 =	vsel vm10, $0x1, v1;
	v3 =	vadd.s32 v9, v4  }
0x115: {  	vm12 =	vlt.f32 v56, v5;
	v62 =	vsel vm11, $0x1, v1;
	v3 =	vadd.s32 v10, v3  }
0x116: {  	vm13 =	vlt.f32 v58, v5;
	v8 =	vsel vm12, $0x1, v1;
	v3 =	vadd.s32 v62, v3  }
0x117: {  	v63 =	vsel vm13, $0x1, v1;
	vm14 =	vlt.f32 v60, v5;
	v3 =	vadd.s32 v8, v3  }
0x118: {  	v5 =	vsel vm14, $0x1, v1;
	v3 =	vadd.s32 v63, v3  }
0x119: {  	v3 =	vadd.s32 v5, v3  }
0x11a: {  	vm15 =	vlt.s32 v3, $0xF423F  }
0x11b: {  	s20 =	sadd.s32 $0x10, s23;
	v3 =	vnsel vm15, $0xF423F, v3  }
0x11c: {  	[tilespmem:s20+$0x0] =	vst v3  }
0x11d: {  	[tilespmem:s13], [sflag:$0x1] =	stream.indirect.gather [hbm4b:s5+s16], $0x1, s4, s16, $0xb8;
	[tilespmem:$0x14C28] =	vst v63  }
0x11e: {  	_ = 	snop  }
0x11f: {  	[tilespmem:s1], [sflag:$0x1] =	stream.indirect.gather [hbm4b:s7+s16], $0x1, s4, s16, $0xb8;
	[tilespmem:$0x14C28] =	vst v63  }
0x120: {  	_ = 	snop  }
0x121: {  	[tilespmem:s15], [sflag:$0x1] =	stream.indirect.gather [hbm4b:s8+s16], $0x1, s4, s16, $0xb8;
	[tilespmem:$0x14C28] =	vst v63  }
0x122: {  	s23 =	simm.s32 $0x140A8  }
0x123: {  	[tilespmem:s23], [sflag:$0x1] =	stream.indirect.gather [hbm4b:s5+s16], $0x1, s18, s16, $0xb8;
	[tilespmem:$0x14C28] =	vst v63  }
0x124: {  	s30 =	simm.s32 $0x144A8  }
0x125: {  	[tilespmem:s30], [sflag:$0x1] =	stream.indirect.gather [hbm4b:s7+s16], $0x1, s18, s16, $0xb8;
	[tilespmem:$0x14C28] =	vst v63  }
0x126: {  	s20 =	simm.s32 $0x148A8  }
0x127: {  	[tilespmem:s20], [sflag:$0x1] =	stream.indirect.gather [hbm4b:s8+s16], $0x1, s18, s16, $0xb8;
	[tilespmem:$0x14C28] =	vst v63  }
0x128: {  	s23 =	simm.s32 $0x14128  }
0x129: {  	[tilespmem:s23], [sflag:$0x1] =	stream.indirect.gather [hbm4b:s5+s16], $0x1, s22, s16, $0xb8;
	[tilespmem:$0x14C28] =	vst v63  }
0x12a: {  	s30 =	simm.s32 $0x14528  }
0x12b: {  	[tilespmem:s30], [sflag:$0x1] =	stream.indirect.gather [hbm4b:s7+s16], $0x1, s22, s16, $0xb8;
	[tilespmem:$0x14C28] =	vst v63  }
0x12c: {  	s20 =	simm.s32 $0x14928  }
0x12d: {  	[tilespmem:s20], [sflag:$0x1] =	stream.indirect.gather [hbm4b:s8+s16], $0x1, s22, s16, $0xb8;
	[tilespmem:$0x14C28] =	vst v63  }
0x12e: {  	s23 =	simm.s32 $0x141A8  }
0x12f: {  	[tilespmem:s23], [sflag:$0x1] =	stream.indirect.gather [hbm4b:s5+s16], $0x1, s26, s16, $0xb8;
	[tilespmem:$0x14C28] =	vst v63  }
0x130: {  	s30 =	simm.s32 $0x145A8  }
0x131: {  	[tilespmem:s30], [sflag:$0x1] =	stream.indirect.gather [hbm4b:s7+s16], $0x1, s26, s16, $0xb8;
	[tilespmem:$0x14C28] =	vst v63  }
0x132: {  	s20 =	simm.s32 $0x149A8  }
0x133: {  	[tilespmem:s20], [sflag:$0x1] =	stream.indirect.gather [hbm4b:s8+s16], $0x1, s26, s16, $0xb8;
	[tilespmem:$0x14C28] =	vst v63  }
0x134: {  	s23 =	simm.s32 $0x14228  }
0x135: {  	[tilespmem:s23], [sflag:$0x1] =	stream.indirect.gather [hbm4b:s5+s16], $0x1, s31, s16, $0xb8;
	[tilespmem:$0x14C28] =	vst v63  }
0x136: {  	s30 =	simm.s32 $0x14628  }
0x137: {  	[tilespmem:s30], [sflag:$0x1] =	stream.indirect.gather [hbm4b:s7+s16], $0x1, s31, s16, $0xb8;
	[tilespmem:$0x14C28] =	vst v63  }
0x138: {  	s20 =	simm.s32 $0x14A28  }
0x139: {  	[tilespmem:s20], [sflag:$0x1] =	stream.indirect.gather [hbm4b:s8+s16], $0x1, s31, s16, $0xb8;
	[tilespmem:$0x14C28] =	vst v63  }
0x13a: {  	s23 =	simm.s32 $0x142A8  }
0x13b: {  	[tilespmem:s23], [sflag:$0x1] =	stream.indirect.gather [hbm4b:s5+s16], $0x1, s21, s16, $0xb8;
	[tilespmem:$0x14C28] =	vst v63  }
0x13c: {  	s30 =	simm.s32 $0x146A8  }
0x13d: {  	[tilespmem:s30], [sflag:$0x1] =	stream.indirect.gather [hbm4b:s7+s16], $0x1, s21, s16, $0xb8;
	[tilespmem:$0x14C28] =	vst v63  }
0x13e: {  	s20 =	simm.s32 $0x14AA8  }
0x13f: {  	[tilespmem:s20], [sflag:$0x1] =	stream.indirect.gather [hbm4b:s8+s16], $0x1, s21, s16, $0xb8;
	[tilespmem:$0x14C28] =	vst v63  }
0x140: {  	s23 =	simm.s32 $0x14328  }
0x141: {  	[tilespmem:s23], [sflag:$0x1] =	stream.indirect.gather [hbm4b:s5+s16], $0x1, s28, s16, $0xb8;
	[tilespmem:$0x14C28] =	vst v63  }
0x142: {  	s30 =	simm.s32 $0x14728  }
0x143: {  	[tilespmem:s30], [sflag:$0x1] =	stream.indirect.gather [hbm4b:s7+s16], $0x1, s28, s16, $0xb8;
	[tilespmem:$0x14C28] =	vst v63  }
0x144: {  	s20 =	simm.s32 $0x14B28  }
0x145: {  	[tilespmem:s20], [sflag:$0x1] =	stream.indirect.gather [hbm4b:s8+s16], $0x1, s28, s16, $0xb8;
	[tilespmem:$0x14C28] =	vst v63  }
0x146: {  	s23 =	simm.s32 $0x143A8  }
0x147: {  	[tilespmem:s23], [sflag:$0x1] =	stream.indirect.gather [hbm4b:s5+s16], $0x1, s19, s16, $0xb8;
	[tilespmem:$0x14C28] =	vst v63  }
0x148: {  	s30 =	simm.s32 $0x147A8  }
0x149: {  	[tilespmem:s30], [sflag:$0x1] =	stream.indirect.gather [hbm4b:s7+s16], $0x1, s19, s16, $0xb8;
	[tilespmem:$0x14C28] =	vst v63  }
0x14a: {  	_ = 	snop  }
0x14b: {  	[tilespmem:s24], [sflag:$0x1] =	stream.indirect.gather [hbm4b:s8+s16], $0x1, s19, s16, $0xb8;
	[tilespmem:$0x14C28] =	vst v63  }
0x14c: {  	_ =	swait.ge [sflag:s6], $0x80  }
0x14d: {  	[sflag:s6] =	ssyncset.done $0x0  }
0x14e: {  	[sflag:s6] =	ssyncadd.s32 $0xFFFFFF80  }
0x14f: {  	_ =	swait.ge [sflag:s6], $0x80  }
0x150: {  	[sflag:s6] =	ssyncset.done $0x0  }
0x151: {  	[sflag:s6] =	ssyncadd.s32 $0xFFFFFF80  }
0x152: {  	_ =	swait.ge [sflag:s6], $0x80  }
0x153: {  	[sflag:s6] =	ssyncset.done $0x0  }
0x154: {  	[sflag:s6] =	ssyncadd.s32 $0xFFFFFF80  }
0x155: {  	_ =	swait.ge [sflag:s6], $0x80  }
0x156: {  	[sflag:s6] =	ssyncset.done $0x0  }
0x157: {  	[sflag:s6] =	ssyncadd.s32 $0xFFFFFF80  }
0x158: {  	_ =	swait.ge [sflag:s6], $0x80  }
0x159: {  	[sflag:s6] =	ssyncset.done $0x0  }
0x15a: {  	[sflag:s6] =	ssyncadd.s32 $0xFFFFFF80  }
0x15b: {  	_ =	swait.ge [sflag:s6], $0x80  }
0x15c: {  	[sflag:s6] =	ssyncset.done $0x0  }
0x15d: {  	[sflag:s6] =	ssyncadd.s32 $0xFFFFFF80  }
0x15e: {  	_ =	swait.ge [sflag:s6], $0x80  }
0x15f: {  	[sflag:s6] =	ssyncset.done $0x0  }
0x160: {  	[sflag:s6] =	ssyncadd.s32 $0xFFFFFF80  }
0x161: {  	_ =	swait.ge [sflag:s6], $0x80  }
0x162: {  	[sflag:s6] =	ssyncset.done $0x0  }
0x163: {  	[sflag:s6] =	ssyncadd.s32 $0xFFFFFF80  }
0x164: {  	_ =	swait.ge [sflag:s6], $0x80  }
0x165: {  	[sflag:s6] =	ssyncset.done $0x0  }
0x166: {  	[sflag:s6] =	ssyncadd.s32 $0xFFFFFF80  }
0x167: {  	_ =	swait.ge [sflag:s6], $0x80  }
0x168: {  	[sflag:s6] =	ssyncset.done $0x0  }
0x169: {  	[sflag:s6] =	ssyncadd.s32 $0xFFFFFF80  }
0x16a: {  	_ =	swait.ge [sflag:s6], $0x80  }
0x16b: {  	[sflag:s6] =	ssyncset.done $0x0  }
0x16c: {  	[sflag:s6] =	ssyncadd.s32 $0xFFFFFF80  }
0x16d: {  	_ =	swait.ge [sflag:s6], $0x80  }
0x16e: {  	[sflag:s6] =	ssyncset.done $0x0  }
0x16f: {  	[sflag:s6] =	ssyncadd.s32 $0xFFFFFF80  }
0x170: {  	_ =	swait.ge [sflag:s6], $0x80  }
0x171: {  	[sflag:s6] =	ssyncset.done $0x0  }
0x172: {  	[sflag:s6] =	ssyncadd.s32 $0xFFFFFF80  }
0x173: {  	_ =	swait.ge [sflag:s6], $0x80  }
0x174: {  	[sflag:s6] =	ssyncset.done $0x0  }
0x175: {  	[sflag:s6] =	ssyncadd.s32 $0xFFFFFF80  }
0x176: {  	_ =	swait.ge [sflag:s6], $0x80  }
0x177: {  	[sflag:s6] =	ssyncset.done $0x0  }
0x178: {  	[sflag:s6] =	ssyncadd.s32 $0xFFFFFF80  }
0x179: {  	_ =	swait.ge [sflag:s6], $0x80  }
0x17a: {  	[sflag:s6] =	ssyncset.done $0x0  }
0x17b: {  	[sflag:s6] =	ssyncadd.s32 $0xFFFFFF80  }
0x17c: {  	_ =	swait.ge [sflag:s6], $0x80  }
0x17d: {  	[sflag:s6] =	ssyncset.done $0x0  }
0x17e: {  	[sflag:s6] =	ssyncadd.s32 $0xFFFFFF80  }
0x17f: {  	_ =	swait.ge [sflag:s6], $0x80  }
0x180: {  	[sflag:s6] =	ssyncset.done $0x0  }
0x181: {  	[sflag:s6] =	ssyncadd.s32 $0xFFFFFF80  }
0x182: {  	_ =	swait.ge [sflag:s6], $0x80  }
0x183: {  	[sflag:s6] =	ssyncset.done $0x0  }
0x184: {  	[sflag:s6] =	ssyncadd.s32 $0xFFFFFF80  }
0x185: {  	_ =	swait.ge [sflag:s6], $0x80  }
0x186: {  	[sflag:s6] =	ssyncset.done $0x0  }
0x187: {  	[sflag:s6] =	ssyncadd.s32 $0xFFFFFF80  }
0x188: {  	_ =	swait.ge [sflag:s6], $0x80  }
0x189: {  	[sflag:s6] =	ssyncset.done $0x0  }
0x18a: {  	[sflag:s6] =	ssyncadd.s32 $0xFFFFFF80  }
0x18b: {  	_ =	swait.ge [sflag:s6], $0x80  }
0x18c: {  	[sflag:s6] =	ssyncset.done $0x0  }
0x18d: {  	[sflag:s6] =	ssyncadd.s32 $0xFFFFFF80  }
0x18e: {  	_ =	swait.ge [sflag:s6], $0x80  }
0x18f: {  	[sflag:s6] =	ssyncset.done $0x0  }
0x190: {  	[sflag:s6] =	ssyncadd.s32 $0xFFFFFF80  }
0x191: {  	_ =	swait.ge [sflag:s6], $0x80  }
0x192: {  	[sflag:s6] =	ssyncset.done $0x0  }
0x193: {  	s20 =	sadd.s32 s9, s29;
	[sflag:s6] =	ssyncadd.s32 $0xFFFFFF80  }
0x194: {  	[hbm4b:s20+s2] =	stream.linear.scatter [tilespmem:s13], [sflag:$0x2], $0x400, $0x38;
	[tilespmem:$0x14C28] =	vst v63  }
0x195: {  	_ =	swait.ge [sflag:s14], $0x400  }
0x196: {  	[sflag:s14] =	ssyncset.done $0x0  }
0x197: {  	s23 =	sadd.s32 s10, s29;
	[sflag:s14] =	ssyncadd.s32 $0xFFFFFC00  }
0x198: {  	[hbm4b:s23+s2] =	stream.linear.scatter [tilespmem:s1], [sflag:$0x2], $0x400, $0x38;
	[tilespmem:$0x14C28] =	vst v63  }
0x199: {  	s25 =	sadd.s32 $0x1, s25;
	_ =	swait.ge [sflag:s14], $0x400  }
0x19a: {  	p0 =	sne.s32 s25, $0x1F;
	[sflag:s14] =	ssyncset.done $0x0  }
.Ltmp2:
0x19b: {  	s30 =	sadd.s32 s11, s29;
	[sflag:s14] =	ssyncadd.s32 $0xFFFFFC00;
	(pc) =	sbr.rel @p0 .LBB2_2-.Ltmp2, $4  }
0x19c: {  	[hbm4b:s30+s2] =	stream.linear.scatter [tilespmem:s15], [sflag:$0x2], $0x400, $0x38;
	[tilespmem:$0x14C28] =	vst v63  }
0x19d: {  	_ =	swait.ge [sflag:s14], $0x400  }
0x19e: {  	[sflag:s14] =	ssyncset.done $0x0  }
0x19f: {  	[sflag:s14] =	ssyncadd.s32 $0xFFFFFC00  }
0x1a0: {  	s20 =	rddreg [dreg:$0x5]  }
0x1a1: {  	s0 =	rddreg [dreg:$0x4];
	s20 =	sadd.s32 $0x1, s20  }
0x1a2: {  	p0 =	sne.s32 s20, s0  }
.Ltmp3:
0x1a3: {  	_ = 	snop;
	(pc) =	sbr.rel @p0 .LBB2_1-.Ltmp3, $1  }
0x1a4: {  	_ =	sdelay $0x3  }
0x1a5: {  	_ =	sfence.sel $0x180000  }
0x1a6: {  	[bflag:$0x0] =	sbarrier.arrive $0xFFFF  }
0x1a7: {  	_ =	strace $0x90000047  }
0x1a8: {  	s0 =	stileid.u32;
	[bflag:$0x2] =	sbarrier.arrive $0xFFFF  }
0x1a9: {  	p0 =	sne.s32 s0, $0x0;
	s0 =	rddreg [dreg:$0x2]  }
0x1aa: {  	s0 =	sadd.s32 @!p0 $0x100000, s0  }
0x1ab: {  	[sflag:s0] =	ssyncadd.tile.s32 @!p0 $0x1;
	_ =	shalt  }
.Lfunc_end2:
_tile_overlayer_lowered:
.L_overlay_start_2:
0x1ac: {  	(tag) =	ssettag $0x2  }
0x1ad: {  	s0 =	rddreg [dreg:$0x0];
	s2 =	stileid.u32  }
0x1ae: {  	s1 =	rddreg [dreg:$0x1];
	p0 =	sne.s32 s2, $0x0  }
0x1af: {  	s3 =	rddreg [dreg:$0x2];
	[bflag:$0x3] =	sbarrier.arrive $0xFFFF;
	s2 =	simm.s32 @!p0 $0x1C02  }
0x1b0: {  	[timem:s3], [sflag:s2] =	dma.local @!p0 [hbm:s0], s1  }
0x1b1: {  	s0 =	simm.s32 @!p0 $0x2  }
0x1b2: {  	_ =	swait.ge @!p0 [sflag:s0], s1  }
0x1b3: {  	s1 =	ssub.s32 @!p0 $0x0, s1;
	[sflag:s0] =	ssyncset.done @!p0 $0x0  }
0x1b4: {  	[sflag:s0] =	ssyncadd.s32 @!p0 s1  }
0x1b5: {  	[bflag:$0x3] =	sbarrier.arrive $0xFFFF  }
0x1b6: {  	_ =	shalt  }

</sc_bundles>
